<compile_context>
chip_gen: v7x
topology: tpu7x:2x2x1
jax: 0.10.2.dev20260603
libtpu: 0.0.44.dev20260713+nightly
codegen_flags: <defaults>
</compile_context>

<pallas_src>
import functools

import jax
import jax.numpy as jnp
from jax import lax
from jax.experimental import pallas as pl
from jax.experimental.pallas import tpu as pltpu
from jax.experimental.pallas import tpu_sc as plsc

N_GROUPS = 10000
N_MOD = 320000
D = 128
D_PROJ = 8

NC = 2
NS = 16
NW = NC * NS
GPW = 320
NB = GPW // 16
NG_PAD = NW * GPW
CSR_PAD = NG_PAD + 16
CHUNK = 8192
NEG_INF = float("-inf")


def _floor128(x):
    return pl.multiple_of((x // 128) * 128, 128)


def _sc_body(xmod, vals, csr, outp, outs, buf, csr_v, cl_v, seen_v, rows_v,
             sem):
    cid = lax.axis_index("c")
    sid = lax.axis_index("s")
    wid = sid * NC + cid
    base_g = pl.multiple_of(wid * GPW, GPW)

    pltpu.sync_copy(csr.at[pl.ds(base_g, GPW + 16)], csr_v)

    zeros16i = jnp.zeros((16,), jnp.int32)
    zeros16f = jnp.zeros((16,), jnp.float32)
    lanes = jax.lax.iota(jnp.int32, 16)

    def fill_window(w):
        pltpu.sync_copy(
            vals.at[pl.ds(w // 128, CHUNK // 128), pl.ds(0, 1), :], buf)

    s0 = csr_v[pl.ds(0, 16)][0]
    w0 = _floor128(jnp.minimum(s0, N_MOD - CHUNK))
    fill_window(w0)

    def block_body(b, w_blk):
        s_vec = csr_v[pl.ds(b * 16, 16)]
        e_vec = csr_v[pl.ds(b * 16 + 1, 16)]
        counts = e_vec - s_vec
        s0b = s_vec[0]
        e15 = e_vec[15]
        fits = (e15 - s0b) <= (CHUNK - 128)

        def fast_path():
            refill = e15 > w_blk + CHUNK
            w1 = pl.multiple_of(
                jnp.where(refill, _floor128(jnp.minimum(s0b, N_MOD - CHUNK)),
                          w_blk), 128)

            @pl.when(refill)
            def _():
                fill_window(w1)

            nmax = jnp.max(counts)

            def step(t, carry):
                bv, bi = carry
                mask = counts > t
                idx = s_vec + t
                roff = idx - w1
                v = plsc.load_gather(
                    buf, [roff >> 7, zeros16i, roff & 127], mask=mask)
                vm = jnp.where(mask, v, NEG_INF)
                better = vm > bv
                bv = jnp.where(better, vm, bv)
                bi = jnp.where(better, idx, bi)
                return (bv, bi)

            bv, bi = lax.fori_loop(
                0, nmax, step,
                (jnp.full((16,), NEG_INF, jnp.float32),
                 jnp.full((16,), N_MOD, jnp.int32)))
            cl_vec = jnp.where(bi >= N_MOD, 0, bi)
            seen_vec = jnp.where(counts > 0, 1, 0)
            return (w1, cl_vec, seen_vec)

        def slow_path():
            def group_body(i, carry):
                w_cur, cl_acc, seen_acc = carry
                g = b * 16 + i
                s = csr_v[pl.ds(g, 16)][0]
                e = csr_v[pl.ds(g + 1, 16)][0]
                nk = (e - s + 15) // 16

                def chunk_body(k, kcarry):
                    w, bv, bi = kcarry
                    c0 = s + k * 16
                    rf = jnp.logical_and(
                        c0 + 16 > w + CHUNK, w < N_MOD - CHUNK)
                    wn = pl.multiple_of(
                        jnp.where(
                            rf, _floor128(jnp.minimum(c0, N_MOD - CHUNK)),
                            w), 128)

                    @pl.when(rf)
                    def _():
                        fill_window(wn)

                    il = c0 + lanes
                    mask = il < e
                    roff = il - wn
                    v = plsc.load_gather(
                        buf, [roff >> 7, zeros16i, roff & 127], mask=mask)
                    vm = jnp.where(mask, v, NEG_INF)
                    better = vm > bv
                    bv = jnp.where(better, vm, bv)
                    bi = jnp.where(better, il, bi)
                    return (wn, bv, bi)

                w_f, bv, bi = lax.fori_loop(
                    0, nk, chunk_body,
                    (w_cur, jnp.full((16,), NEG_INF, jnp.float32),
                     jnp.full((16,), N_MOD, jnp.int32)))

                m = jnp.max(bv)
                cand = jnp.where(bv == m, bi, jnp.int32(N_MOD))
                a = jnp.min(cand)
                cl = jnp.where(a >= N_MOD, jnp.int32(0), a)
                sn = jnp.where(e > s, jnp.int32(1), jnp.int32(0))
                cl_acc = jnp.where(lanes == i, cl, cl_acc)
                seen_acc = jnp.where(lanes == i, sn, seen_acc)
                return (w_f, cl_acc, seen_acc)

            return lax.fori_loop(0, 16, group_body,
                                 (w_blk, zeros16i, zeros16i))

        w_f, cl_vec, seen_vec = lax.cond(fits, fast_path, slow_path)
        cl_v[pl.ds(b * 16, 16)] = cl_vec
        seen_v[pl.ds(b * 16, 16)] = seen_vec
        for j in range(16):
            pltpu.async_copy(
                xmod.at[pl.ds(cl_vec[j], 1)],
                rows_v.at[pl.ds(b * 16 + j, 1)], sem)
        return w_f

    with jax.named_scope("p1scan"):
        lax.fori_loop(0, NB, block_body, w0)

    with jax.named_scope("p2gather"):
        def drain(i, _):
            pltpu.make_async_copy(
                xmod.at[pl.ds(0, 1)], rows_v.at[pl.ds(0, 1)], sem).wait()
            return 0

        lax.fori_loop(0, GPW, drain, 0)

    def zero_blk(b, _):
        sv = seen_v[pl.ds(b * 16, 16)]
        anyz = jnp.min(sv)

        @pl.when(anyz == 0)
        def _():
            def zero_one(i, __):
                g = b * 16 + i
                sn = seen_v[pl.ds(g, 16)][0]

                @pl.when(sn == 0)
                def _():
                    for k in range(8):
                        rows_v[g, pl.ds(k * 16, 16)] = zeros16f
                return 0

            lax.fori_loop(0, 16, zero_one, 0)
        return 0

    with jax.named_scope("p3zero"):
        lax.fori_loop(0, NB, zero_blk, 0)

    with jax.named_scope("p4out"):
        @pl.when(wid < NW - 1)
        def _():
            pltpu.sync_copy(rows_v.at[pl.ds(0, GPW)],
                            outp.at[pl.ds(base_g, GPW)])
            pltpu.sync_copy(seen_v.at[pl.ds(0, GPW)],
                            outs.at[pl.ds(base_g, GPW)])

        @pl.when(wid == NW - 1)
        def _():
            tail = N_GROUPS - (NW - 1) * GPW
            pltpu.sync_copy(rows_v.at[pl.ds(0, tail)],
                            outp.at[pl.ds(base_g, tail)])
            pltpu.sync_copy(seen_v.at[pl.ds(0, tail)],
                            outs.at[pl.ds(base_g, tail)])


@functools.partial(
    pl.kernel,
    out_type=(
        jax.ShapeDtypeStruct((N_GROUPS, D), jnp.float32),
        jax.ShapeDtypeStruct((N_GROUPS,), jnp.int32),
    ),
    scratch_types=[
        pltpu.VMEM((CHUNK // 128, 1, 128), jnp.float32),
        pltpu.VMEM((GPW + 16,), jnp.int32),
        pltpu.VMEM((GPW,), jnp.int32),
        pltpu.VMEM((GPW + 16,), jnp.int32),
        pltpu.VMEM((GPW, D), jnp.float32),
        pltpu.SemaphoreType.DMA,
    ],
    mesh=plsc.VectorSubcoreMesh(core_axis_name="c", subcore_axis_name="s"),
    compiler_params=pltpu.CompilerParams(
        needs_layout_passes=False, use_tc_tiling_on_sc=False),
)
def _csr_pool_sc(xmod, vals, csr, outp, outs, *scratch):
    _sc_body(xmod, vals, csr, outp, outs, *scratch)


def kernel(x_main, x_mod, x_proj, csr_idx):
    del x_main
    vals3 = jnp.transpose(x_proj.reshape(N_MOD // 128, 128, D_PROJ),
                          (0, 2, 1))
    csr_pad = jnp.concatenate(
        [csr_idx,
         jnp.full((CSR_PAD - (N_GROUPS + 1),), N_MOD, dtype=jnp.int32)])
    pool, seen = _csr_pool_sc(x_mod, vals3, csr_pad)
    return pool, seen != 0

# --- scband reference (transcript-rebuilt; emitter-appended) ---
"""Pipeline reference for scband-heuristic-bimodal-csrpool-39737037423402 (READ-ONLY COPY).

The authoritative reference and input builder live on the scoring server;
editing this copy changes nothing except your own understanding.
"""

import jax, jax.numpy as jnp
import numpy as np

N_GROUPS = 10000
N_MOD = 320000
D = 128
D_PROJ = 8
FEAT = 0  # init_kwargs feat=0 -> 'normalized depth' column


def setup_inputs(seed: int = 0) -> dict:
    key = jax.random.key(seed)
    k1, k2, k3, k4 = jax.random.split(key, 4)
    x_main = jax.random.normal(k1, (N_GROUPS, D), dtype=jnp.float32)
    x_mod = jax.random.normal(k2, (N_MOD, D), dtype=jnp.float32)
    x_proj = jax.random.normal(k3, (N_MOD, D_PROJ), dtype=jnp.float32)
    csr = jnp.sort(jax.random.randint(k4, (N_GROUPS + 1,), 0, N_MOD, dtype=jnp.int32))
    # valid CSR pointer array must start at 0 and end at N_MOD so that
    # sum of per-group counts equals the number of x_mod / x_proj rows
    csr = csr.at[0].set(0).at[-1].set(N_MOD)
    return {"x_main": x_main, "x_mod": x_mod, "x_proj": x_proj, "csr_idx": csr}


def reference(x_main, x_mod, x_proj, csr_idx):
    n_groups = csr_idx.shape[0] - 1
    n_mod = x_mod.shape[0]
    counts = csr_idx[1:] - csr_idx[:-1]
    # dense_idx = torch.arange(n_groups).repeat_interleave(counts)
    dense_idx = jnp.repeat(jnp.arange(n_groups, dtype=jnp.int32), counts,
                           total_repeat_length=n_mod)
    # scatter_max on the selected heuristic feature column -> argmax per group
    vals = x_proj[:, FEAT]
    seg_max = jax.ops.segment_max(vals, dense_idx, num_segments=n_groups)
    pos = jnp.arange(n_mod, dtype=jnp.int32)
    sentinel = jnp.int32(n_mod)
    cand = jnp.where(vals == seg_max[dense_idx], pos, sentinel)
    arg_min = jax.ops.segment_min(cand, dense_idx, num_segments=n_groups)
    # empty groups: no candidate ever written -> >= sentinel (torch_scatter uses -1)
    arg_idx = jnp.where(arg_min >= sentinel, jnp.int32(-1), arg_min)
    # x_pool = x_mod[arg_idx]; x_pool[arg_idx == -1] = 0
    gathered = x_mod[jnp.clip(arg_idx, 0, n_mod - 1)]
    x_pool = jnp.where((arg_idx == -1)[:, None], jnp.float32(0.0), gathered)
    x_seen = csr_idx[1:] > csr_idx[:-1]
    return (x_pool, x_seen)

if __name__ == "__main__":
    import jax
    _d = setup_inputs()
    print(jax.jit(kernel)(*tuple(_d.values())))

</pallas_src>

<mosaic_0001>
#map = affine_map<(d0, d1) -> (0, 0)>
#map1 = affine_map<(d0, d1) -> (0, 0, 0)>
#map2 = affine_map<(d0, d1) -> (0)>
module attributes {stable_mosaic.version = 14 : i64} {
  func.func @_csr_pool_sc(%arg0: i32, %arg1: i32, %arg2: memref<320000x128xf32, #tpu.memory_space<hbm>>, %arg3: memref<2500x8x128xf32, #tpu.memory_space<hbm>>, %arg4: memref<10256xi32, #tpu.memory_space<hbm>>, %arg5: memref<10000x128xf32, #tpu.memory_space<hbm>>, %arg6: memref<10000xi32, #tpu.memory_space<hbm>>, %arg7: memref<64x1x128xf32, #tpu.memory_space<vmem>>, %arg8: memref<336xi32, #tpu.memory_space<vmem>>, %arg9: memref<320xi32, #tpu.memory_space<vmem>>, %arg10: memref<336xi32, #tpu.memory_space<vmem>>, %arg11: memref<320x128xf32, #tpu.memory_space<vmem>>, %arg12: memref<!tpu.dma_semaphore, #tpu.memory_space<semaphore_mem>>) attributes {dimension_semantics = [#tpu.dimension_semantics<core_parallel>, #tpu.dimension_semantics<subcore_parallel>], iteration_bounds = array<i64: 2, 16>, scalar_prefetch = 0 : i64, scratch_operands = 6 : i64, tpu.core_type = #tpu.core_type<sc_vector_subcore>, window_params = [{transform_indices = #map}, {transform_indices = #map1}, {transform_indices = #map2}, {transform_indices = #map}, {transform_indices = #map2}]} {
    %mul3A = arith.constant 2 : i32
    %mul3A_0 = arith.muli %arg1, %mul3A : i32
    %add3A = arith.addi %mul3A_0, %arg0 : i32
    %mul3A_1 = arith.constant 320 : i32
    %mul3A_2 = arith.muli %add3A, %mul3A_1 : i32
    %multiple_of3A = tpu.assume_multiple %mul3A_2, 320 : i32
    "tpu.region"() ({
      %run_scoped3A = tpu.sem_alloc : memref<!tpu.dma_semaphore, #tpu.memory_space<semaphore_mem>>
      %dma_start3A = tpu.memref_slice %arg4[%multiple_of3A] : memref<10256xi32, #tpu.memory_space<hbm>> -> memref<336xi32, #tpu.memory_space<hbm>>
      %dma_start3A_76 = tpu.memref_slice %arg4[%multiple_of3A] : memref<10256xi32, #tpu.memory_space<hbm>> -> memref<336xi32, #tpu.memory_space<hbm>>
      tpu.enqueue_dma source(%dma_start3A_76 : memref<336xi32, #tpu.memory_space<hbm>>) target(%arg8 : memref<336xi32, #tpu.memory_space<vmem>>) target_semaphore(%run_scoped3A : memref<!tpu.dma_semaphore, #tpu.memory_space<semaphore_mem>>)
      %dma_wait3A = tpu.memref_slice %arg4[%multiple_of3A] : memref<10256xi32, #tpu.memory_space<hbm>> -> memref<336xi32, #tpu.memory_space<hbm>>
      %dma_wait3A_77 = tpu.memref_slice %arg4[%multiple_of3A] : memref<10256xi32, #tpu.memory_space<hbm>> -> memref<336xi32, #tpu.memory_space<hbm>>
      tpu.wait_dma2 semaphore(%run_scoped3A : memref<!tpu.dma_semaphore, #tpu.memory_space<semaphore_mem>>) src(%dma_wait3A_77 : memref<336xi32, #tpu.memory_space<hbm>>) dst(%arg8 : memref<336xi32, #tpu.memory_space<vmem>>)
      tpu.yield
    }) : () -> ()
    %broadcast_in_dim3A = arith.constant 0 : i32
    %broadcast_in_dim3A_3 = vector.broadcast %broadcast_in_dim3A : i32 to vector<16xi32>
    %broadcast_in_dim3A_4 = arith.constant 0.000000e+00 : f32
    %broadcast_in_dim3A_5 = vector.broadcast %broadcast_in_dim3A_4 : f32 to vector<16xf32>
    %iota3A = tpu.iota {dimensions = array<i32: 0>} : vector<16xi32>
    %get3A = arith.constant 0 : index
    %get3A_6 = tpu.vector_load %arg8[%get3A] {strides = array<i32>} : memref<336xi32, #tpu.memory_space<vmem>>, vector<16xi32>,
    %slice3A = vector.extract_strided_slice %get3A_6 {offsets = [0], sizes = [1], strides = [1]} : vector<16xi32> to vector<1xi32>
    %squeeze3A = vector.extract %slice3A[0] : i32 from vector<1xi32>
    %min3A = arith.constant 311808 : i32
    %min3A_7 = arith.minsi %squeeze3A, %min3A : i32
    %jit3A = arith.constant 128 : i32
    %div3A = arith.divsi %min3A_7, %jit3A : i32
    %sign3A = arith.constant 0 : i32
    %sign3A_8 = arith.cmpi sgt, %min3A_7, %sign3A : i32
    %sign3A_9 = arith.extui %sign3A_8 : i1 to i32
    %sign3A_10 = arith.constant 0 : i32
    %sign3A_11 = arith.cmpi slt, %min3A_7, %sign3A_10 : i32
    %sign3A_12 = arith.extui %sign3A_11 : i1 to i32
    %sign3A_13 = arith.subi %sign3A_9, %sign3A_12 : i32
    %sign3A_14 = arith.constant 0 : i32
    %sign3A_15 = arith.cmpi sgt, %jit3A, %sign3A_14 : i32
    %sign3A_16 = arith.extui %sign3A_15 : i1 to i32
    %sign3A_17 = arith.constant 0 : i32
    %sign3A_18 = arith.cmpi slt, %jit3A, %sign3A_17 : i32
    %sign3A_19 = arith.extui %sign3A_18 : i1 to i32
    %sign3A_20 = arith.subi %sign3A_16, %sign3A_19 : i32
    %ne3A = arith.cmpi ne, %sign3A_13, %sign3A_20 : i32
    %rem3A = arith.remsi %min3A_7, %jit3A : i32
    %ne3A_21 = arith.constant 0 : i32
    %ne3A_22 = arith.cmpi ne, %rem3A, %ne3A_21 : i32
    %and3A = arith.andi %ne3A, %ne3A_22 : i1
    %sub3A = arith.constant 1 : i32
    %sub3A_23 = arith.subi %div3A, %sub3A : i32
    %select_n3A = arith.select %and3A, %sub3A_23, %div3A : i32
    %mul3A_24 = arith.constant 128 : i32
    %mul3A_25 = arith.muli %select_n3A, %mul3A_24 : i32
    %multiple_of3A_26 = tpu.assume_multiple %mul3A_25, 128 : i32
    %jit3A_27 = arith.constant 128 : i32
    %div3A_28 = arith.divsi %multiple_of3A_26, %jit3A_27 : i32
    %sign3A_29 = arith.constant 0 : i32
    %sign3A_30 = arith.cmpi sgt, %multiple_of3A_26, %sign3A_29 : i32
    %sign3A_31 = arith.extui %sign3A_30 : i1 to i32
    %sign3A_32 = arith.constant 0 : i32
    %sign3A_33 = arith.cmpi slt, %multiple_of3A_26, %sign3A_32 : i32
    %sign3A_34 = arith.extui %sign3A_33 : i1 to i32
    %sign3A_35 = arith.subi %sign3A_31, %sign3A_34 : i32
    %sign3A_36 = arith.constant 0 : i32
    %sign3A_37 = arith.cmpi sgt, %jit3A_27, %sign3A_36 : i32
    %sign3A_38 = arith.extui %sign3A_37 : i1 to i32
    %sign3A_39 = arith.constant 0 : i32
    %sign3A_40 = arith.cmpi slt, %jit3A_27, %sign3A_39 : i32
    %sign3A_41 = arith.extui %sign3A_40 : i1 to i32
    %sign3A_42 = arith.subi %sign3A_38, %sign3A_41 : i32
    %ne3A_43 = arith.cmpi ne, %sign3A_35, %sign3A_42 : i32
    %rem3A_44 = arith.remsi %multiple_of3A_26, %jit3A_27 : i32
    %ne3A_45 = arith.constant 0 : i32
    %ne3A_46 = arith.cmpi ne, %rem3A_44, %ne3A_45 : i32
    %and3A_47 = arith.andi %ne3A_43, %ne3A_46 : i1
    %sub3A_48 = arith.constant 1 : i32
    %sub3A_49 = arith.subi %div3A_28, %sub3A_48 : i32
    %select_n3A_50 = arith.select %and3A_47, %sub3A_49, %div3A_28 : i32
    "tpu.region"() ({
      %run_scoped3A = tpu.sem_alloc : memref<!tpu.dma_semaphore, #tpu.memory_space<semaphore_mem>>
      %dma_start3A = arith.constant 0 : i32
      %dma_start3A_76 = arith.constant 0 : i32
      %dma_start3A_77 = tpu.memref_slice %arg3[%select_n3A_50, %dma_start3A, %dma_start3A_76] : memref<2500x8x128xf32, #tpu.memory_space<hbm>> -> memref<64x1x128xf32, #tpu.memory_space<hbm>>
      %dma_start3A_78 = arith.constant 0 : i32
      %dma_start3A_79 = arith.constant 0 : i32
      %dma_start3A_80 = tpu.memref_slice %arg3[%select_n3A_50, %dma_start3A_78, %dma_start3A_79] : memref<2500x8x128xf32, #tpu.memory_space<hbm>> -> memref<64x1x128xf32, #tpu.memory_space<hbm>>
      tpu.enqueue_dma source(%dma_start3A_80 : memref<64x1x128xf32, #tpu.memory_space<hbm>>) target(%arg7 : memref<64x1x128xf32, #tpu.memory_space<vmem>>) target_semaphore(%run_scoped3A : memref<!tpu.dma_semaphore, #tpu.memory_space<semaphore_mem>>)
      %dma_wait3A = arith.constant 0 : i32
      %dma_wait3A_81 = arith.constant 0 : i32
      %dma_wait3A_82 = tpu.memref_slice %arg3[%select_n3A_50, %dma_wait3A, %dma_wait3A_81] : memref<2500x8x128xf32, #tpu.memory_space<hbm>> -> memref<64x1x128xf32, #tpu.memory_space<hbm>>
      %dma_wait3A_83 = arith.constant 0 : i32
      %dma_wait3A_84 = arith.constant 0 : i32
      %dma_wait3A_85 = tpu.memref_slice %arg3[%select_n3A_50, %dma_wait3A_83, %dma_wait3A_84] : memref<2500x8x128xf32, #tpu.memory_space<hbm>> -> memref<64x1x128xf32, #tpu.memory_space<hbm>>
      tpu.wait_dma2 semaphore(%run_scoped3A : memref<!tpu.dma_semaphore, #tpu.memory_space<semaphore_mem>>) src(%dma_wait3A_85 : memref<64x1x128xf32, #tpu.memory_space<hbm>>) dst(%arg7 : memref<64x1x128xf32, #tpu.memory_space<vmem>>)
      tpu.yield
    }) : () -> ()
    "tpu.trace_start"() <{level = 10 : i32, message = "p1scan"}> : () -> ()
    %scan3A = arith.constant 0 : i32
    %scan3A_51 = arith.constant 20 : i32
    %scan3A_52 = arith.addi %scan3A, %scan3A_51 : i32
    %scan3A_53 = arith.constant 1 : i32
    %scan3A_54 = scf.for %scan3A_76 = %scan3A to %scan3A_52 step %scan3A_53 iter_args(%scan3A_77 = %multiple_of3A_26) -> (i32)  : i32 {
      %mul3A_78 = arith.constant 16 : i32
      %mul3A_79 = arith.muli %scan3A_76, %mul3A_78 : i32
      %get3A_80 = arith.index_cast %mul3A_79 : i32 to index
      %get3A_81 = tpu.vector_load %arg8[%get3A_80] {strides = array<i32>} : memref<336xi32, #tpu.memory_space<vmem>>, vector<16xi32>,
      %mul3A_82 = arith.constant 16 : i32
      %mul3A_83 = arith.muli %scan3A_76, %mul3A_82 : i32
      %add3A_84 = arith.constant 1 : i32
      %add3A_85 = arith.addi %mul3A_83, %add3A_84 : i32
      %get3A_86 = arith.index_cast %add3A_85 : i32 to index
      %get3A_87 = tpu.vector_load %arg8[%get3A_86] {strides = array<i32>} : memref<336xi32, #tpu.memory_space<vmem>>, vector<16xi32>,
      %sub3A_88 = arith.subi %get3A_87, %get3A_81 : vector<16xi32>
      %slice3A_89 = vector.extract_strided_slice %get3A_81 {offsets = [0], sizes = [1], strides = [1]} : vector<16xi32> to vector<1xi32>
      %squeeze3A_90 = vector.extract %slice3A_89[0] : i32 from vector<1xi32>
      %slice3A_91 = vector.extract_strided_slice %get3A_87 {offsets = [15], sizes = [1], strides = [1]} : vector<16xi32> to vector<1xi32>
      %squeeze3A_92 = vector.extract %slice3A_91[0] : i32 from vector<1xi32>
      %sub3A_93 = arith.subi %squeeze3A_92, %squeeze3A_90 : i32
      %le3A = arith.constant 8064 : i32
      %le3A_94 = arith.cmpi sle, %sub3A_93, %le3A : i32
      %convert_element_type3A_95 = arith.extui %le3A_94 : i1 to i32
      %cond3A_96 = arith.constant 0 : i32
      %cond3A_97 = arith.cmpi ne, %convert_element_type3A_95, %cond3A_96 : i32
      %cond3A_98:3 = scf.if %cond3A_97 -> (i32, vector<16xi32>, vector<16xi32>) {
        %add3A_329 = arith.constant 8192 : i32
        %add3A_330 = arith.addi %scan3A_77, %add3A_329 : i32
        %gt3A = arith.cmpi sgt, %squeeze3A_92, %add3A_330 : i32
        %min3A_331 = arith.constant 311808 : i32
        %min3A_332 = arith.minsi %squeeze3A_90, %min3A_331 : i32
        %jit3A_333 = arith.constant 128 : i32
        %div3A_334 = arith.divsi %min3A_332, %jit3A_333 : i32
        %sign3A_335 = arith.constant 0 : i32
        %sign3A_336 = arith.cmpi sgt, %min3A_332, %sign3A_335 : i32
        %sign3A_337 = arith.extui %sign3A_336 : i1 to i32
        %sign3A_338 = arith.constant 0 : i32
        %sign3A_339 = arith.cmpi slt, %min3A_332, %sign3A_338 : i32
        %sign3A_340 = arith.extui %sign3A_339 : i1 to i32
        %sign3A_341 = arith.subi %sign3A_337, %sign3A_340 : i32
        %sign3A_342 = arith.constant 0 : i32
        %sign3A_343 = arith.cmpi sgt, %jit3A_333, %sign3A_342 : i32
        %sign3A_344 = arith.extui %sign3A_343 : i1 to i32
        %sign3A_345 = arith.constant 0 : i32
        %sign3A_346 = arith.cmpi slt, %jit3A_333, %sign3A_345 : i32
        %sign3A_347 = arith.extui %sign3A_346 : i1 to i32
        %sign3A_348 = arith.subi %sign3A_344, %sign3A_347 : i32
        %ne3A_349 = arith.cmpi ne, %sign3A_341, %sign3A_348 : i32
        %rem3A_350 = arith.remsi %min3A_332, %jit3A_333 : i32
        %ne3A_351 = arith.constant 0 : i32
        %ne3A_352 = arith.cmpi ne, %rem3A_350, %ne3A_351 : i32
        %and3A_353 = arith.andi %ne3A_349, %ne3A_352 : i1
        %sub3A_354 = arith.constant 1 : i32
        %sub3A_355 = arith.subi %div3A_334, %sub3A_354 : i32
        %select_n3A_356 = arith.select %and3A_353, %sub3A_355, %div3A_334 : i32
        %mul3A_357 = arith.constant 128 : i32
        %mul3A_358 = arith.muli %select_n3A_356, %mul3A_357 : i32
        %multiple_of3A_359 = tpu.assume_multiple %mul3A_358, 128 : i32
        %select_n3A_360 = arith.select %gt3A, %multiple_of3A_359, %scan3A_77 : i32
        %multiple_of3A_361 = tpu.assume_multiple %select_n3A_360, 128 : i32
        %convert_element_type3A_362 = arith.extui %gt3A : i1 to i32
        %cond3A_363 = arith.constant 0 : i32
        %cond3A_364 = arith.cmpi ne, %convert_element_type3A_362, %cond3A_363 : i32
        scf.if %cond3A_364 {
          %jit3A_399 = arith.constant 128 : i32
          %div3A_400 = arith.divsi %multiple_of3A_361, %jit3A_399 : i32
          %sign3A_401 = arith.constant 0 : i32
          %sign3A_402 = arith.cmpi sgt, %multiple_of3A_361, %sign3A_401 : i32
          %sign3A_403 = arith.extui %sign3A_402 : i1 to i32
          %sign3A_404 = arith.constant 0 : i32
          %sign3A_405 = arith.cmpi slt, %multiple_of3A_361, %sign3A_404 : i32
          %sign3A_406 = arith.extui %sign3A_405 : i1 to i32
          %sign3A_407 = arith.subi %sign3A_403, %sign3A_406 : i32
          %sign3A_408 = arith.constant 0 : i32
          %sign3A_409 = arith.cmpi sgt, %jit3A_399, %sign3A_408 : i32
          %sign3A_410 = arith.extui %sign3A_409 : i1 to i32
          %sign3A_411 = arith.constant 0 : i32
          %sign3A_412 = arith.cmpi slt, %jit3A_399, %sign3A_411 : i32
          %sign3A_413 = arith.extui %sign3A_412 : i1 to i32
          %sign3A_414 = arith.subi %sign3A_410, %sign3A_413 : i32
          %ne3A_415 = arith.cmpi ne, %sign3A_407, %sign3A_414 : i32
          %rem3A_416 = arith.remsi %multiple_of3A_361, %jit3A_399 : i32
          %ne3A_417 = arith.constant 0 : i32
          %ne3A_418 = arith.cmpi ne, %rem3A_416, %ne3A_417 : i32
          %and3A_419 = arith.andi %ne3A_415, %ne3A_418 : i1
          %sub3A_420 = arith.constant 1 : i32
          %sub3A_421 = arith.subi %div3A_400, %sub3A_420 : i32
          %select_n3A_422 = arith.select %and3A_419, %sub3A_421, %div3A_400 : i32
          "tpu.region"() ({
            %run_scoped3A = tpu.sem_alloc : memref<!tpu.dma_semaphore, #tpu.memory_space<semaphore_mem>>
            %dma_start3A_423 = arith.constant 0 : i32
            %dma_start3A_424 = arith.constant 0 : i32
            %dma_start3A_425 = tpu.memref_slice %arg3[%select_n3A_422, %dma_start3A_423, %dma_start3A_424] : memref<2500x8x128xf32, #tpu.memory_space<hbm>> -> memref<64x1x128xf32, #tpu.memory_space<hbm>>
            %dma_start3A_426 = arith.constant 0 : i32
            %dma_start3A_427 = arith.constant 0 : i32
            %dma_start3A_428 = tpu.memref_slice %arg3[%select_n3A_422, %dma_start3A_426, %dma_start3A_427] : memref<2500x8x128xf32, #tpu.memory_space<hbm>> -> memref<64x1x128xf32, #tpu.memory_space<hbm>>
            tpu.enqueue_dma source(%dma_start3A_428 : memref<64x1x128xf32, #tpu.memory_space<hbm>>) target(%arg7 : memref<64x1x128xf32, #tpu.memory_space<vmem>>) target_semaphore(%run_scoped3A : memref<!tpu.dma_semaphore, #tpu.memory_space<semaphore_mem>>)
            %dma_wait3A = arith.constant 0 : i32
            %dma_wait3A_429 = arith.constant 0 : i32
            %dma_wait3A_430 = tpu.memref_slice %arg3[%select_n3A_422, %dma_wait3A, %dma_wait3A_429] : memref<2500x8x128xf32, #tpu.memory_space<hbm>> -> memref<64x1x128xf32, #tpu.memory_space<hbm>>
            %dma_wait3A_431 = arith.constant 0 : i32
            %dma_wait3A_432 = arith.constant 0 : i32
            %dma_wait3A_433 = tpu.memref_slice %arg3[%select_n3A_422, %dma_wait3A_431, %dma_wait3A_432] : memref<2500x8x128xf32, #tpu.memory_space<hbm>> -> memref<64x1x128xf32, #tpu.memory_space<hbm>>
            tpu.wait_dma2 semaphore(%run_scoped3A : memref<!tpu.dma_semaphore, #tpu.memory_space<semaphore_mem>>) src(%dma_wait3A_433 : memref<64x1x128xf32, #tpu.memory_space<hbm>>) dst(%arg7 : memref<64x1x128xf32, #tpu.memory_space<vmem>>)
            tpu.yield
          }) : () -> ()
        } else {
        }
        %reduce_max3A = arith.constant true
        %reduce_max3A_365 = vector.broadcast %reduce_max3A : i1 to vector<16xi1>
        %reduce_max3A_366 = arith.constant -2147483648 : i32
        %reduce_max3A_367 = vector.broadcast %reduce_max3A_366 : i32 to vector<16xi32>
        %reduce_max3A_368 = arith.xori %sub3A_88, %reduce_max3A_367 : vector<16xi32>
        %reduce_max3A_369 = tpu.scan <max>, %reduce_max3A_368 masked %reduce_max3A_365 : vector<16xi32>, vector<16xi1> -> vector<16xi32>
        %reduce_max3A_370 = arith.xori %reduce_max3A_369, %reduce_max3A_367 : vector<16xi32>
        %reduce_max3A_371 = vector.extract %reduce_max3A_370[15] : i32 from vector<16xi32>
        %broadcast_in_dim3A_372 = arith.constant 0xFF800000 : f32
        %broadcast_in_dim3A_373 = vector.broadcast %broadcast_in_dim3A_372 : f32 to vector<16xf32>
        %broadcast_in_dim3A_374 = arith.constant 320000 : i32
        %broadcast_in_dim3A_375 = vector.broadcast %broadcast_in_dim3A_374 : i32 to vector<16xi32>
        %while3A = arith.constant 0 : i32
        %while3A_376 = arith.subi %reduce_max3A_371, %while3A : i32
        %while3A_377 = arith.addi %while3A, %while3A_376 : i32
        %while3A_378 = arith.constant 1 : i32
        %while3A_379 = arith.divsi %while3A_376, %while3A_378 : i32
        %while3A_380 = arith.muli %while3A_379, %while3A_378 : i32
        %while3A_381 = arith.addi %while3A, %while3A_380 : i32
        %while3A_382 = arith.constant 1 : i32
        %while3A_383:2 = scf.for %while3A_399 = %while3A to %while3A_381 step %while3A_382 iter_args(%while3A_400 = %broadcast_in_dim3A_373, %while3A_401 = %broadcast_in_dim3A_375) -> (vector<16xf32>, vector<16xi32>)  : i32 {
          %gt3A_402 = vector.broadcast %while3A_399 : i32 to vector<16xi32>
          %gt3A_403 = arith.cmpi sgt, %sub3A_88, %gt3A_402 : vector<16xi32>
          %add3A_404 = vector.broadcast %while3A_399 : i32 to vector<16xi32>
          %add3A_405 = arith.addi %get3A_81, %add3A_404 : vector<16xi32>
          %sub3A_406 = vector.broadcast %multiple_of3A_361 : i32 to vector<16xi32>
          %sub3A_407 = arith.subi %add3A_405, %sub3A_406 : vector<16xi32>
          %shift_right_arithmetic3A = arith.constant 7 : i32
          %shift_right_arithmetic3A_408 = vector.broadcast %shift_right_arithmetic3A : i32 to vector<16xi32>
          %shift_right_arithmetic3A_409 = arith.shrsi %sub3A_407, %shift_right_arithmetic3A_408 : vector<16xi32>
          %and3A_410 = arith.constant 127 : i32
          %and3A_411 = vector.broadcast %and3A_410 : i32 to vector<16xi32>
          %and3A_412 = arith.andi %sub3A_407, %and3A_411 : vector<16xi32>
          %gather3A = tpu.vector_load_idx %arg7[%shift_right_arithmetic3A_409, %broadcast_in_dim3A_3, %and3A_412] masked %gt3A_403 : memref<64x1x128xf32, #tpu.memory_space<vmem>>[vector<16xi32>, vector<16xi32>, vector<16xi32>], vector<16xf32>, vector<16xi1>
          %jit3A_413 = arith.constant 0xFF800000 : f32
          %broadcast_in_dim3A_414 = vector.broadcast %jit3A_413 : f32 to vector<16xf32>
          %select_n3A_415 = arith.select %gt3A_403, %gather3A, %broadcast_in_dim3A_414 : vector<16xi1>, vector<16xf32>
          %gt3A_416 = arith.cmpf ogt, %select_n3A_415, %while3A_400 : vector<16xf32>
          %select_n3A_417 = arith.select %gt3A_416, %select_n3A_415, %while3A_400 : vector<16xi1>, vector<16xf32>
          %select_n3A_418 = arith.select %gt3A_416, %add3A_405, %while3A_401 : vector<16xi1>, vector<16xi32>
          scf.yield %select_n3A_417, %select_n3A_418 : vector<16xf32>, vector<16xi32>
        }
        %while3A_384 = arith.constant 1 : i32
        %while3A_385:2 = scf.for %while3A_399 = %while3A_381 to %while3A_377 step %while3A_384 iter_args(%while3A_400 = %while3A_383#0, %while3A_401 = %while3A_383#1) -> (vector<16xf32>, vector<16xi32>)  : i32 {
          %gt3A_402 = vector.broadcast %while3A_399 : i32 to vector<16xi32>
          %gt3A_403 = arith.cmpi sgt, %sub3A_88, %gt3A_402 : vector<16xi32>
          %add3A_404 = vector.broadcast %while3A_399 : i32 to vector<16xi32>
          %add3A_405 = arith.addi %get3A_81, %add3A_404 : vector<16xi32>
          %sub3A_406 = vector.broadcast %multiple_of3A_361 : i32 to vector<16xi32>
          %sub3A_407 = arith.subi %add3A_405, %sub3A_406 : vector<16xi32>
          %shift_right_arithmetic3A = arith.constant 7 : i32
          %shift_right_arithmetic3A_408 = vector.broadcast %shift_right_arithmetic3A : i32 to vector<16xi32>
          %shift_right_arithmetic3A_409 = arith.shrsi %sub3A_407, %shift_right_arithmetic3A_408 : vector<16xi32>
          %and3A_410 = arith.constant 127 : i32
          %and3A_411 = vector.broadcast %and3A_410 : i32 to vector<16xi32>
          %and3A_412 = arith.andi %sub3A_407, %and3A_411 : vector<16xi32>
          %gather3A = tpu.vector_load_idx %arg7[%shift_right_arithmetic3A_409, %broadcast_in_dim3A_3, %and3A_412] masked %gt3A_403 : memref<64x1x128xf32, #tpu.memory_space<vmem>>[vector<16xi32>, vector<16xi32>, vector<16xi32>], vector<16xf32>, vector<16xi1>
          %jit3A_413 = arith.constant 0xFF800000 : f32
          %broadcast_in_dim3A_414 = vector.broadcast %jit3A_413 : f32 to vector<16xf32>
          %select_n3A_415 = arith.select %gt3A_403, %gather3A, %broadcast_in_dim3A_414 : vector<16xi1>, vector<16xf32>
          %gt3A_416 = arith.cmpf ogt, %select_n3A_415, %while3A_400 : vector<16xf32>
          %select_n3A_417 = arith.select %gt3A_416, %select_n3A_415, %while3A_400 : vector<16xi1>, vector<16xf32>
          %select_n3A_418 = arith.select %gt3A_416, %add3A_405, %while3A_401 : vector<16xi1>, vector<16xi32>
          scf.yield %select_n3A_417, %select_n3A_418 : vector<16xf32>, vector<16xi32>
        }
        %ge3A = arith.constant 320000 : i32
        %ge3A_386 = vector.broadcast %ge3A : i32 to vector<16xi32>
        %ge3A_387 = arith.cmpi sge, %while3A_385#1, %ge3A_386 : vector<16xi32>
        %jit3A_388 = arith.constant 0 : i32
        %broadcast_in_dim3A_389 = vector.broadcast %jit3A_388 : i32 to vector<16xi32>
        %select_n3A_390 = arith.select %ge3A_387, %broadcast_in_dim3A_389, %while3A_385#1 : vector<16xi1>, vector<16xi32>
        %gt3A_391 = arith.constant 0 : i32
        %gt3A_392 = vector.broadcast %gt3A_391 : i32 to vector<16xi32>
        %gt3A_393 = arith.cmpi sgt, %sub3A_88, %gt3A_392 : vector<16xi32>
        %jit3A_394 = arith.constant 1 : i32
        %jit3A_395 = arith.constant 0 : i32
        %broadcast_in_dim3A_396 = vector.broadcast %jit3A_394 : i32 to vector<16xi32>
        %broadcast_in_dim3A_397 = vector.broadcast %jit3A_395 : i32 to vector<16xi32>
        %select_n3A_398 = arith.select %gt3A_393, %broadcast_in_dim3A_396, %broadcast_in_dim3A_397 : vector<16xi1>, vector<16xi32>
        scf.yield %multiple_of3A_361, %select_n3A_390, %select_n3A_398 : i32, vector<16xi32>, vector<16xi32>
      } else {
        %scan3A_329 = arith.constant 0 : i32
        %scan3A_330 = arith.constant 16 : i32
        %scan3A_331 = arith.addi %scan3A_329, %scan3A_330 : i32
        %scan3A_332 = arith.constant 1 : i32
        %scan3A_333:3 = scf.for %scan3A_335 = %scan3A_329 to %scan3A_331 step %scan3A_332 iter_args(%scan3A_336 = %scan3A_77, %scan3A_337 = %broadcast_in_dim3A_3, %scan3A_338 = %broadcast_in_dim3A_3) -> (i32, vector<16xi32>, vector<16xi32>)  : i32 {
          %mul3A_339 = arith.constant 16 : i32
          %mul3A_340 = arith.muli %scan3A_76, %mul3A_339 : i32
          %add3A_341 = arith.addi %mul3A_340, %scan3A_335 : i32
          %get3A_342 = arith.index_cast %add3A_341 : i32 to index
          %get3A_343 = tpu.vector_load %arg8[%get3A_342] {strides = array<i32>} : memref<336xi32, #tpu.memory_space<vmem>>, vector<16xi32>,
          %slice3A_344 = vector.extract_strided_slice %get3A_343 {offsets = [0], sizes = [1], strides = [1]} : vector<16xi32> to vector<1xi32>
          %squeeze3A_345 = vector.extract %slice3A_344[0] : i32 from vector<1xi32>
          %add3A_346 = arith.constant 1 : i32
          %add3A_347 = arith.addi %add3A_341, %add3A_346 : i32
          %get3A_348 = arith.index_cast %add3A_347 : i32 to index
          %get3A_349 = tpu.vector_load %arg8[%get3A_348] {strides = array<i32>} : memref<336xi32, #tpu.memory_space<vmem>>, vector<16xi32>,
          %slice3A_350 = vector.extract_strided_slice %get3A_349 {offsets = [0], sizes = [1], strides = [1]} : vector<16xi32> to vector<1xi32>
          %squeeze3A_351 = vector.extract %slice3A_350[0] : i32 from vector<1xi32>
          %sub3A_352 = arith.subi %squeeze3A_351, %squeeze3A_345 : i32
          %add3A_353 = arith.constant 15 : i32
          %add3A_354 = arith.addi %sub3A_352, %add3A_353 : i32
          %jit3A_355 = arith.constant 16 : i32
          %div3A_356 = arith.divsi %add3A_354, %jit3A_355 : i32
          %sign3A_357 = arith.constant 0 : i32
          %sign3A_358 = arith.cmpi sgt, %add3A_354, %sign3A_357 : i32
          %sign3A_359 = arith.extui %sign3A_358 : i1 to i32
          %sign3A_360 = arith.constant 0 : i32
          %sign3A_361 = arith.cmpi slt, %add3A_354, %sign3A_360 : i32
          %sign3A_362 = arith.extui %sign3A_361 : i1 to i32
          %sign3A_363 = arith.subi %sign3A_359, %sign3A_362 : i32
          %sign3A_364 = arith.constant 0 : i32
          %sign3A_365 = arith.cmpi sgt, %jit3A_355, %sign3A_364 : i32
          %sign3A_366 = arith.extui %sign3A_365 : i1 to i32
          %sign3A_367 = arith.constant 0 : i32
          %sign3A_368 = arith.cmpi slt, %jit3A_355, %sign3A_367 : i32
          %sign3A_369 = arith.extui %sign3A_368 : i1 to i32
          %sign3A_370 = arith.subi %sign3A_366, %sign3A_369 : i32
          %ne3A_371 = arith.cmpi ne, %sign3A_363, %sign3A_370 : i32
          %rem3A_372 = arith.remsi %add3A_354, %jit3A_355 : i32
          %ne3A_373 = arith.constant 0 : i32
          %ne3A_374 = arith.cmpi ne, %rem3A_372, %ne3A_373 : i32
          %and3A_375 = arith.andi %ne3A_371, %ne3A_374 : i1
          %sub3A_376 = arith.constant 1 : i32
          %sub3A_377 = arith.subi %div3A_356, %sub3A_376 : i32
          %select_n3A_378 = arith.select %and3A_375, %sub3A_377, %div3A_356 : i32
          %broadcast_in_dim3A_379 = arith.constant 0xFF800000 : f32
          %broadcast_in_dim3A_380 = vector.broadcast %broadcast_in_dim3A_379 : f32 to vector<16xf32>
          %broadcast_in_dim3A_381 = arith.constant 320000 : i32
          %broadcast_in_dim3A_382 = vector.broadcast %broadcast_in_dim3A_381 : i32 to vector<16xi32>
          %while3A = arith.constant 0 : i32
          %while3A_383 = arith.subi %select_n3A_378, %while3A : i32
          %while3A_384 = arith.addi %while3A, %while3A_383 : i32
          %while3A_385 = arith.constant 1 : i32
          %while3A_386 = arith.divsi %while3A_383, %while3A_385 : i32
          %while3A_387 = arith.muli %while3A_386, %while3A_385 : i32
          %while3A_388 = arith.addi %while3A, %while3A_387 : i32
          %while3A_389 = arith.constant 1 : i32
          %while3A_390:3 = scf.for %while3A_422 = %while3A to %while3A_388 step %while3A_389 iter_args(%while3A_423 = %scan3A_336, %while3A_424 = %broadcast_in_dim3A_380, %while3A_425 = %broadcast_in_dim3A_382) -> (i32, vector<16xf32>, vector<16xi32>)  : i32 {
            %mul3A_426 = arith.constant 16 : i32
            %mul3A_427 = arith.muli %while3A_422, %mul3A_426 : i32
            %add3A_428 = arith.addi %squeeze3A_345, %mul3A_427 : i32
            %add3A_429 = arith.constant 16 : i32
            %add3A_430 = arith.addi %add3A_428, %add3A_429 : i32
            %add3A_431 = arith.constant 8192 : i32
            %add3A_432 = arith.addi %while3A_423, %add3A_431 : i32
            %gt3A_433 = arith.cmpi sgt, %add3A_430, %add3A_432 : i32
            %lt3A_434 = arith.constant 311808 : i32
            %lt3A_435 = arith.cmpi slt, %while3A_423, %lt3A_434 : i32
            %and3A_436 = arith.andi %gt3A_433, %lt3A_435 : i1
            %min3A_437 = arith.constant 311808 : i32
            %min3A_438 = arith.minsi %add3A_428, %min3A_437 : i32
            %jit3A_439 = arith.constant 128 : i32
            %div3A_440 = arith.divsi %min3A_438, %jit3A_439 : i32
            %sign3A_441 = arith.constant 0 : i32
            %sign3A_442 = arith.cmpi sgt, %min3A_438, %sign3A_441 : i32
            %sign3A_443 = arith.extui %sign3A_442 : i1 to i32
            %sign3A_444 = arith.constant 0 : i32
            %sign3A_445 = arith.cmpi slt, %min3A_438, %sign3A_444 : i32
            %sign3A_446 = arith.extui %sign3A_445 : i1 to i32
            %sign3A_447 = arith.subi %sign3A_443, %sign3A_446 : i32
            %sign3A_448 = arith.constant 0 : i32
            %sign3A_449 = arith.cmpi sgt, %jit3A_439, %sign3A_448 : i32
            %sign3A_450 = arith.extui %sign3A_449 : i1 to i32
            %sign3A_451 = arith.constant 0 : i32
            %sign3A_452 = arith.cmpi slt, %jit3A_439, %sign3A_451 : i32
            %sign3A_453 = arith.extui %sign3A_452 : i1 to i32
            %sign3A_454 = arith.subi %sign3A_450, %sign3A_453 : i32
            %ne3A_455 = arith.cmpi ne, %sign3A_447, %sign3A_454 : i32
            %rem3A_456 = arith.remsi %min3A_438, %jit3A_439 : i32
            %ne3A_457 = arith.constant 0 : i32
            %ne3A_458 = arith.cmpi ne, %rem3A_456, %ne3A_457 : i32
            %and3A_459 = arith.andi %ne3A_455, %ne3A_458 : i1
            %sub3A_460 = arith.constant 1 : i32
            %sub3A_461 = arith.subi %div3A_440, %sub3A_460 : i32
            %select_n3A_462 = arith.select %and3A_459, %sub3A_461, %div3A_440 : i32
            %mul3A_463 = arith.constant 128 : i32
            %mul3A_464 = arith.muli %select_n3A_462, %mul3A_463 : i32
            %multiple_of3A_465 = tpu.assume_multiple %mul3A_464, 128 : i32
            %select_n3A_466 = arith.select %and3A_436, %multiple_of3A_465, %while3A_423 : i32
            %multiple_of3A_467 = tpu.assume_multiple %select_n3A_466, 128 : i32
            %convert_element_type3A_468 = arith.extui %and3A_436 : i1 to i32
            %cond3A_469 = arith.constant 0 : i32
            %cond3A_470 = arith.cmpi ne, %convert_element_type3A_468, %cond3A_469 : i32
            scf.if %cond3A_470 {
              %jit3A_488 = arith.constant 128 : i32
              %div3A_489 = arith.divsi %multiple_of3A_467, %jit3A_488 : i32
              %sign3A_490 = arith.constant 0 : i32
              %sign3A_491 = arith.cmpi sgt, %multiple_of3A_467, %sign3A_490 : i32
              %sign3A_492 = arith.extui %sign3A_491 : i1 to i32
              %sign3A_493 = arith.constant 0 : i32
              %sign3A_494 = arith.cmpi slt, %multiple_of3A_467, %sign3A_493 : i32
              %sign3A_495 = arith.extui %sign3A_494 : i1 to i32
              %sign3A_496 = arith.subi %sign3A_492, %sign3A_495 : i32
              %sign3A_497 = arith.constant 0 : i32
              %sign3A_498 = arith.cmpi sgt, %jit3A_488, %sign3A_497 : i32
              %sign3A_499 = arith.extui %sign3A_498 : i1 to i32
              %sign3A_500 = arith.constant 0 : i32
              %sign3A_501 = arith.cmpi slt, %jit3A_488, %sign3A_500 : i32
              %sign3A_502 = arith.extui %sign3A_501 : i1 to i32
              %sign3A_503 = arith.subi %sign3A_499, %sign3A_502 : i32
              %ne3A_504 = arith.cmpi ne, %sign3A_496, %sign3A_503 : i32
              %rem3A_505 = arith.remsi %multiple_of3A_467, %jit3A_488 : i32
              %ne3A_506 = arith.constant 0 : i32
              %ne3A_507 = arith.cmpi ne, %rem3A_505, %ne3A_506 : i32
              %and3A_508 = arith.andi %ne3A_504, %ne3A_507 : i1
              %sub3A_509 = arith.constant 1 : i32
              %sub3A_510 = arith.subi %div3A_489, %sub3A_509 : i32
              %select_n3A_511 = arith.select %and3A_508, %sub3A_510, %div3A_489 : i32
              "tpu.region"() ({
                %run_scoped3A = tpu.sem_alloc : memref<!tpu.dma_semaphore, #tpu.memory_space<semaphore_mem>>
                %dma_start3A_512 = arith.constant 0 : i32
                %dma_start3A_513 = arith.constant 0 : i32
                %dma_start3A_514 = tpu.memref_slice %arg3[%select_n3A_511, %dma_start3A_512, %dma_start3A_513] : memref<2500x8x128xf32, #tpu.memory_space<hbm>> -> memref<64x1x128xf32, #tpu.memory_space<hbm>>
                %dma_start3A_515 = arith.constant 0 : i32
                %dma_start3A_516 = arith.constant 0 : i32
                %dma_start3A_517 = tpu.memref_slice %arg3[%select_n3A_511, %dma_start3A_515, %dma_start3A_516] : memref<2500x8x128xf32, #tpu.memory_space<hbm>> -> memref<64x1x128xf32, #tpu.memory_space<hbm>>
                tpu.enqueue_dma source(%dma_start3A_517 : memref<64x1x128xf32, #tpu.memory_space<hbm>>) target(%arg7 : memref<64x1x128xf32, #tpu.memory_space<vmem>>) target_semaphore(%run_scoped3A : memref<!tpu.dma_semaphore, #tpu.memory_space<semaphore_mem>>)
                %dma_wait3A = arith.constant 0 : i32
                %dma_wait3A_518 = arith.constant 0 : i32
                %dma_wait3A_519 = tpu.memref_slice %arg3[%select_n3A_511, %dma_wait3A, %dma_wait3A_518] : memref<2500x8x128xf32, #tpu.memory_space<hbm>> -> memref<64x1x128xf32, #tpu.memory_space<hbm>>
                %dma_wait3A_520 = arith.constant 0 : i32
                %dma_wait3A_521 = arith.constant 0 : i32
                %dma_wait3A_522 = tpu.memref_slice %arg3[%select_n3A_511, %dma_wait3A_520, %dma_wait3A_521] : memref<2500x8x128xf32, #tpu.memory_space<hbm>> -> memref<64x1x128xf32, #tpu.memory_space<hbm>>
                tpu.wait_dma2 semaphore(%run_scoped3A : memref<!tpu.dma_semaphore, #tpu.memory_space<semaphore_mem>>) src(%dma_wait3A_522 : memref<64x1x128xf32, #tpu.memory_space<hbm>>) dst(%arg7 : memref<64x1x128xf32, #tpu.memory_space<vmem>>)
                tpu.yield
              }) : () -> ()
            } else {
            }
            %add3A_471 = vector.broadcast %add3A_428 : i32 to vector<16xi32>
            %add3A_472 = arith.addi %add3A_471, %iota3A : vector<16xi32>
            %lt3A_473 = vector.broadcast %squeeze3A_351 : i32 to vector<16xi32>
            %lt3A_474 = arith.cmpi slt, %add3A_472, %lt3A_473 : vector<16xi32>
            %sub3A_475 = vector.broadcast %multiple_of3A_467 : i32 to vector<16xi32>
            %sub3A_476 = arith.subi %add3A_472, %sub3A_475 : vector<16xi32>
            %shift_right_arithmetic3A = arith.constant 7 : i32
            %shift_right_arithmetic3A_477 = vector.broadcast %shift_right_arithmetic3A : i32 to vector<16xi32>
            %shift_right_arithmetic3A_478 = arith.shrsi %sub3A_476, %shift_right_arithmetic3A_477 : vector<16xi32>
            %and3A_479 = arith.constant 127 : i32
            %and3A_480 = vector.broadcast %and3A_479 : i32 to vector<16xi32>
            %and3A_481 = arith.andi %sub3A_476, %and3A_480 : vector<16xi32>
            %gather3A = tpu.vector_load_idx %arg7[%shift_right_arithmetic3A_478, %broadcast_in_dim3A_3, %and3A_481] masked %lt3A_474 : memref<64x1x128xf32, #tpu.memory_space<vmem>>[vector<16xi32>, vector<16xi32>, vector<16xi32>], vector<16xf32>, vector<16xi1>
            %jit3A_482 = arith.constant 0xFF800000 : f32
            %broadcast_in_dim3A_483 = vector.broadcast %jit3A_482 : f32 to vector<16xf32>
            %select_n3A_484 = arith.select %lt3A_474, %gather3A, %broadcast_in_dim3A_483 : vector<16xi1>, vector<16xf32>
            %gt3A_485 = arith.cmpf ogt, %select_n3A_484, %while3A_424 : vector<16xf32>
            %select_n3A_486 = arith.select %gt3A_485, %select_n3A_484, %while3A_424 : vector<16xi1>, vector<16xf32>
            %select_n3A_487 = arith.select %gt3A_485, %add3A_472, %while3A_425 : vector<16xi1>, vector<16xi32>
            scf.yield %multiple_of3A_467, %select_n3A_486, %select_n3A_487 : i32, vector<16xf32>, vector<16xi32>
          }
          %while3A_391 = arith.constant 1 : i32
          %while3A_392:3 = scf.for %while3A_422 = %while3A_388 to %while3A_384 step %while3A_391 iter_args(%while3A_423 = %while3A_390#0, %while3A_424 = %while3A_390#1, %while3A_425 = %while3A_390#2) -> (i32, vector<16xf32>, vector<16xi32>)  : i32 {
            %mul3A_426 = arith.constant 16 : i32
            %mul3A_427 = arith.muli %while3A_422, %mul3A_426 : i32
            %add3A_428 = arith.addi %squeeze3A_345, %mul3A_427 : i32
            %add3A_429 = arith.constant 16 : i32
            %add3A_430 = arith.addi %add3A_428, %add3A_429 : i32
            %add3A_431 = arith.constant 8192 : i32
            %add3A_432 = arith.addi %while3A_423, %add3A_431 : i32
            %gt3A_433 = arith.cmpi sgt, %add3A_430, %add3A_432 : i32
            %lt3A_434 = arith.constant 311808 : i32
            %lt3A_435 = arith.cmpi slt, %while3A_423, %lt3A_434 : i32
            %and3A_436 = arith.andi %gt3A_433, %lt3A_435 : i1
            %min3A_437 = arith.constant 311808 : i32
            %min3A_438 = arith.minsi %add3A_428, %min3A_437 : i32
            %jit3A_439 = arith.constant 128 : i32
            %div3A_440 = arith.divsi %min3A_438, %jit3A_439 : i32
            %sign3A_441 = arith.constant 0 : i32
            %sign3A_442 = arith.cmpi sgt, %min3A_438, %sign3A_441 : i32
            %sign3A_443 = arith.extui %sign3A_442 : i1 to i32
            %sign3A_444 = arith.constant 0 : i32
            %sign3A_445 = arith.cmpi slt, %min3A_438, %sign3A_444 : i32
            %sign3A_446 = arith.extui %sign3A_445 : i1 to i32
            %sign3A_447 = arith.subi %sign3A_443, %sign3A_446 : i32
            %sign3A_448 = arith.constant 0 : i32
            %sign3A_449 = arith.cmpi sgt, %jit3A_439, %sign3A_448 : i32
            %sign3A_450 = arith.extui %sign3A_449 : i1 to i32
            %sign3A_451 = arith.constant 0 : i32
            %sign3A_452 = arith.cmpi slt, %jit3A_439, %sign3A_451 : i32
            %sign3A_453 = arith.extui %sign3A_452 : i1 to i32
            %sign3A_454 = arith.subi %sign3A_450, %sign3A_453 : i32
            %ne3A_455 = arith.cmpi ne, %sign3A_447, %sign3A_454 : i32
            %rem3A_456 = arith.remsi %min3A_438, %jit3A_439 : i32
            %ne3A_457 = arith.constant 0 : i32
            %ne3A_458 = arith.cmpi ne, %rem3A_456, %ne3A_457 : i32
            %and3A_459 = arith.andi %ne3A_455, %ne3A_458 : i1
            %sub3A_460 = arith.constant 1 : i32
            %sub3A_461 = arith.subi %div3A_440, %sub3A_460 : i32
            %select_n3A_462 = arith.select %and3A_459, %sub3A_461, %div3A_440 : i32
            %mul3A_463 = arith.constant 128 : i32
            %mul3A_464 = arith.muli %select_n3A_462, %mul3A_463 : i32
            %multiple_of3A_465 = tpu.assume_multiple %mul3A_464, 128 : i32
            %select_n3A_466 = arith.select %and3A_436, %multiple_of3A_465, %while3A_423 : i32
            %multiple_of3A_467 = tpu.assume_multiple %select_n3A_466, 128 : i32
            %convert_element_type3A_468 = arith.extui %and3A_436 : i1 to i32
            %cond3A_469 = arith.constant 0 : i32
            %cond3A_470 = arith.cmpi ne, %convert_element_type3A_468, %cond3A_469 : i32
            scf.if %cond3A_470 {
              %jit3A_488 = arith.constant 128 : i32
              %div3A_489 = arith.divsi %multiple_of3A_467, %jit3A_488 : i32
              %sign3A_490 = arith.constant 0 : i32
              %sign3A_491 = arith.cmpi sgt, %multiple_of3A_467, %sign3A_490 : i32
              %sign3A_492 = arith.extui %sign3A_491 : i1 to i32
              %sign3A_493 = arith.constant 0 : i32
              %sign3A_494 = arith.cmpi slt, %multiple_of3A_467, %sign3A_493 : i32
              %sign3A_495 = arith.extui %sign3A_494 : i1 to i32
              %sign3A_496 = arith.subi %sign3A_492, %sign3A_495 : i32
              %sign3A_497 = arith.constant 0 : i32
              %sign3A_498 = arith.cmpi sgt, %jit3A_488, %sign3A_497 : i32
              %sign3A_499 = arith.extui %sign3A_498 : i1 to i32
              %sign3A_500 = arith.constant 0 : i32
              %sign3A_501 = arith.cmpi slt, %jit3A_488, %sign3A_500 : i32
              %sign3A_502 = arith.extui %sign3A_501 : i1 to i32
              %sign3A_503 = arith.subi %sign3A_499, %sign3A_502 : i32
              %ne3A_504 = arith.cmpi ne, %sign3A_496, %sign3A_503 : i32
              %rem3A_505 = arith.remsi %multiple_of3A_467, %jit3A_488 : i32
              %ne3A_506 = arith.constant 0 : i32
              %ne3A_507 = arith.cmpi ne, %rem3A_505, %ne3A_506 : i32
              %and3A_508 = arith.andi %ne3A_504, %ne3A_507 : i1
              %sub3A_509 = arith.constant 1 : i32
              %sub3A_510 = arith.subi %div3A_489, %sub3A_509 : i32
              %select_n3A_511 = arith.select %and3A_508, %sub3A_510, %div3A_489 : i32
              "tpu.region"() ({
                %run_scoped3A = tpu.sem_alloc : memref<!tpu.dma_semaphore, #tpu.memory_space<semaphore_mem>>
                %dma_start3A_512 = arith.constant 0 : i32
                %dma_start3A_513 = arith.constant 0 : i32
                %dma_start3A_514 = tpu.memref_slice %arg3[%select_n3A_511, %dma_start3A_512, %dma_start3A_513] : memref<2500x8x128xf32, #tpu.memory_space<hbm>> -> memref<64x1x128xf32, #tpu.memory_space<hbm>>
                %dma_start3A_515 = arith.constant 0 : i32
                %dma_start3A_516 = arith.constant 0 : i32
                %dma_start3A_517 = tpu.memref_slice %arg3[%select_n3A_511, %dma_start3A_515, %dma_start3A_516] : memref<2500x8x128xf32, #tpu.memory_space<hbm>> -> memref<64x1x128xf32, #tpu.memory_space<hbm>>
                tpu.enqueue_dma source(%dma_start3A_517 : memref<64x1x128xf32, #tpu.memory_space<hbm>>) target(%arg7 : memref<64x1x128xf32, #tpu.memory_space<vmem>>) target_semaphore(%run_scoped3A : memref<!tpu.dma_semaphore, #tpu.memory_space<semaphore_mem>>)
                %dma_wait3A = arith.constant 0 : i32
                %dma_wait3A_518 = arith.constant 0 : i32
                %dma_wait3A_519 = tpu.memref_slice %arg3[%select_n3A_511, %dma_wait3A, %dma_wait3A_518] : memref<2500x8x128xf32, #tpu.memory_space<hbm>> -> memref<64x1x128xf32, #tpu.memory_space<hbm>>
                %dma_wait3A_520 = arith.constant 0 : i32
                %dma_wait3A_521 = arith.constant 0 : i32
                %dma_wait3A_522 = tpu.memref_slice %arg3[%select_n3A_511, %dma_wait3A_520, %dma_wait3A_521] : memref<2500x8x128xf32, #tpu.memory_space<hbm>> -> memref<64x1x128xf32, #tpu.memory_space<hbm>>
                tpu.wait_dma2 semaphore(%run_scoped3A : memref<!tpu.dma_semaphore, #tpu.memory_space<semaphore_mem>>) src(%dma_wait3A_522 : memref<64x1x128xf32, #tpu.memory_space<hbm>>) dst(%arg7 : memref<64x1x128xf32, #tpu.memory_space<vmem>>)
                tpu.yield
              }) : () -> ()
            } else {
            }
            %add3A_471 = vector.broadcast %add3A_428 : i32 to vector<16xi32>
            %add3A_472 = arith.addi %add3A_471, %iota3A : vector<16xi32>
            %lt3A_473 = vector.broadcast %squeeze3A_351 : i32 to vector<16xi32>
            %lt3A_474 = arith.cmpi slt, %add3A_472, %lt3A_473 : vector<16xi32>
            %sub3A_475 = vector.broadcast %multiple_of3A_467 : i32 to vector<16xi32>
            %sub3A_476 = arith.subi %add3A_472, %sub3A_475 : vector<16xi32>
            %shift_right_arithmetic3A = arith.constant 7 : i32
            %shift_right_arithmetic3A_477 = vector.broadcast %shift_right_arithmetic3A : i32 to vector<16xi32>
            %shift_right_arithmetic3A_478 = arith.shrsi %sub3A_476, %shift_right_arithmetic3A_477 : vector<16xi32>
            %and3A_479 = arith.constant 127 : i32
            %and3A_480 = vector.broadcast %and3A_479 : i32 to vector<16xi32>
            %and3A_481 = arith.andi %sub3A_476, %and3A_480 : vector<16xi32>
            %gather3A = tpu.vector_load_idx %arg7[%shift_right_arithmetic3A_478, %broadcast_in_dim3A_3, %and3A_481] masked %lt3A_474 : memref<64x1x128xf32, #tpu.memory_space<vmem>>[vector<16xi32>, vector<16xi32>, vector<16xi32>], vector<16xf32>, vector<16xi1>
            %jit3A_482 = arith.constant 0xFF800000 : f32
            %broadcast_in_dim3A_483 = vector.broadcast %jit3A_482 : f32 to vector<16xf32>
            %select_n3A_484 = arith.select %lt3A_474, %gather3A, %broadcast_in_dim3A_483 : vector<16xi1>, vector<16xf32>
            %gt3A_485 = arith.cmpf ogt, %select_n3A_484, %while3A_424 : vector<16xf32>
            %select_n3A_486 = arith.select %gt3A_485, %select_n3A_484, %while3A_424 : vector<16xi1>, vector<16xf32>
            %select_n3A_487 = arith.select %gt3A_485, %add3A_472, %while3A_425 : vector<16xi1>, vector<16xi32>
            scf.yield %multiple_of3A_467, %select_n3A_486, %select_n3A_487 : i32, vector<16xf32>, vector<16xi32>
          }
          %reduce_max3A = arith.constant true
          %reduce_max3A_393 = vector.broadcast %reduce_max3A : i1 to vector<16xi1>
          %reduce_max3A_394 = tpu.scan <max>, %while3A_392#1 masked %reduce_max3A_393 : vector<16xf32>, vector<16xi1> -> vector<16xf32>
          %reduce_max3A_395 = vector.extract %reduce_max3A_394[15] : f32 from vector<16xf32>
          %eq3A_396 = vector.broadcast %reduce_max3A_395 : f32 to vector<16xf32>
          %eq3A_397 = arith.cmpf oeq, %while3A_392#1, %eq3A_396 : vector<16xf32>
          %jit3A_398 = arith.constant 320000 : i32
          %broadcast_in_dim3A_399 = vector.broadcast %jit3A_398 : i32 to vector<16xi32>
          %select_n3A_400 = arith.select %eq3A_397, %while3A_392#2, %broadcast_in_dim3A_399 : vector<16xi1>, vector<16xi32>
          %reduce_min3A = arith.constant true
          %reduce_min3A_401 = vector.broadcast %reduce_min3A : i1 to vector<16xi1>
          %reduce_min3A_402 = arith.constant -2147483648 : i32
          %reduce_min3A_403 = vector.broadcast %reduce_min3A_402 : i32 to vector<16xi32>
          %reduce_min3A_404 = arith.xori %select_n3A_400, %reduce_min3A_403 : vector<16xi32>
          %reduce_min3A_405 = tpu.scan <min>, %reduce_min3A_404 masked %reduce_min3A_401 : vector<16xi32>, vector<16xi1> -> vector<16xi32>
          %reduce_min3A_406 = arith.xori %reduce_min3A_405, %reduce_min3A_403 : vector<16xi32>
          %reduce_min3A_407 = vector.extract %reduce_min3A_406[15] : i32 from vector<16xi32>
          %ge3A = arith.constant 320000 : i32
          %ge3A_408 = arith.cmpi sge, %reduce_min3A_407, %ge3A : i32
          %jit3A_409 = arith.constant 0 : i32
          %select_n3A_410 = arith.select %ge3A_408, %jit3A_409, %reduce_min3A_407 : i32
          %gt3A = arith.cmpi sgt, %squeeze3A_351, %squeeze3A_345 : i32
          %jit3A_411 = arith.constant 1 : i32
          %jit3A_412 = arith.constant 0 : i32
          %select_n3A_413 = arith.select %gt3A, %jit3A_411, %jit3A_412 : i32
          %eq3A_414 = vector.broadcast %scan3A_335 : i32 to vector<16xi32>
          %eq3A_415 = arith.cmpi eq, %iota3A, %eq3A_414 : vector<16xi32>
          %broadcast_in_dim3A_416 = vector.broadcast %select_n3A_410 : i32 to vector<16xi32>
          %select_n3A_417 = arith.select %eq3A_415, %broadcast_in_dim3A_416, %scan3A_337 : vector<16xi1>, vector<16xi32>
          %eq3A_418 = vector.broadcast %scan3A_335 : i32 to vector<16xi32>
          %eq3A_419 = arith.cmpi eq, %iota3A, %eq3A_418 : vector<16xi32>
          %broadcast_in_dim3A_420 = vector.broadcast %select_n3A_413 : i32 to vector<16xi32>
          %select_n3A_421 = arith.select %eq3A_419, %broadcast_in_dim3A_420, %scan3A_338 : vector<16xi1>, vector<16xi32>
          scf.yield %while3A_392#0, %select_n3A_417, %select_n3A_421 : i32, vector<16xi32>, vector<16xi32>
        }
        %scan3A_334 = arith.constant 16 : i32
        scf.yield %scan3A_333#0, %scan3A_333#1, %scan3A_333#2 : i32, vector<16xi32>, vector<16xi32>
      }
      %mul3A_99 = arith.constant 16 : i32
      %mul3A_100 = arith.muli %scan3A_76, %mul3A_99 : i32
      %swap3A = arith.index_cast %mul3A_100 : i32 to index
      %swap3A_101 = tpu.vector_load %arg9[%swap3A] {strides = array<i32>} : memref<320xi32, #tpu.memory_space<vmem>>, vector<16xi32>,
      tpu.vector_store %arg9[%swap3A], %cond3A_98#1 {strides = array<i32>} : memref<320xi32, #tpu.memory_space<vmem>>, vector<16xi32>,
      %mul3A_102 = arith.constant 16 : i32
      %mul3A_103 = arith.muli %scan3A_76, %mul3A_102 : i32
      %swap3A_104 = arith.index_cast %mul3A_103 : i32 to index
      %swap3A_105 = tpu.vector_load %arg10[%swap3A_104] {strides = array<i32>} : memref<336xi32, #tpu.memory_space<vmem>>, vector<16xi32>,
      tpu.vector_store %arg10[%swap3A_104], %cond3A_98#2 {strides = array<i32>} : memref<336xi32, #tpu.memory_space<vmem>>, vector<16xi32>,
      %slice3A_106 = vector.extract_strided_slice %cond3A_98#1 {offsets = [0], sizes = [1], strides = [1]} : vector<16xi32> to vector<1xi32>
      %squeeze3A_107 = vector.extract %slice3A_106[0] : i32 from vector<1xi32>
      %mul3A_108 = arith.constant 16 : i32
      %mul3A_109 = arith.muli %scan3A_76, %mul3A_108 : i32
      %add3A_110 = arith.constant 0 : i32
      %add3A_111 = arith.addi %mul3A_109, %add3A_110 : i32
      %dma_start3A = arith.constant 0 : i32
      %dma_start3A_112 = tpu.memref_slice %arg11[%add3A_111, %dma_start3A] : memref<320x128xf32, #tpu.memory_space<vmem>> -> memref<1x128xf32, #tpu.memory_space<vmem>>
      %dma_start3A_113 = arith.constant 0 : i32
      %dma_start3A_114 = tpu.memref_slice %arg2[%squeeze3A_107, %dma_start3A_113] : memref<320000x128xf32, #tpu.memory_space<hbm>> -> memref<1x128xf32, #tpu.memory_space<hbm>>
      %dma_start3A_115 = arith.constant 0 : i32
      %dma_start3A_116 = tpu.memref_slice %arg11[%add3A_111, %dma_start3A_115] : memref<320x128xf32, #tpu.memory_space<vmem>> -> memref<1x128xf32, #tpu.memory_space<vmem>>
      %dma_start3A_117 = arith.constant 0 : i32
      %dma_start3A_118 = tpu.memref_slice %arg2[%squeeze3A_107, %dma_start3A_117] : memref<320000x128xf32, #tpu.memory_space<hbm>> -> memref<1x128xf32, #tpu.memory_space<hbm>>
      tpu.enqueue_dma source(%dma_start3A_118 : memref<1x128xf32, #tpu.memory_space<hbm>>) target(%dma_start3A_116 : memref<1x128xf32, #tpu.memory_space<vmem>>) target_semaphore(%arg12 : memref<!tpu.dma_semaphore, #tpu.memory_space<semaphore_mem>>)
      %slice3A_119 = vector.extract_strided_slice %cond3A_98#1 {offsets = [1], sizes = [1], strides = [1]} : vector<16xi32> to vector<1xi32>
      %squeeze3A_120 = vector.extract %slice3A_119[0] : i32 from vector<1xi32>
      %mul3A_121 = arith.constant 16 : i32
      %mul3A_122 = arith.muli %scan3A_76, %mul3A_121 : i32
      %add3A_123 = arith.constant 1 : i32
      %add3A_124 = arith.addi %mul3A_122, %add3A_123 : i32
      %dma_start3A_125 = arith.constant 0 : i32
      %dma_start3A_126 = tpu.memref_slice %arg11[%add3A_124, %dma_start3A_125] : memref<320x128xf32, #tpu.memory_space<vmem>> -> memref<1x128xf32, #tpu.memory_space<vmem>>
      %dma_start3A_127 = arith.constant 0 : i32
      %dma_start3A_128 = tpu.memref_slice %arg2[%squeeze3A_120, %dma_start3A_127] : memref<320000x128xf32, #tpu.memory_space<hbm>> -> memref<1x128xf32, #tpu.memory_space<hbm>>
      %dma_start3A_129 = arith.constant 0 : i32
      %dma_start3A_130 = tpu.memref_slice %arg11[%add3A_124, %dma_start3A_129] : memref<320x128xf32, #tpu.memory_space<vmem>> -> memref<1x128xf32, #tpu.memory_space<vmem>>
      %dma_start3A_131 = arith.constant 0 : i32
      %dma_start3A_132 = tpu.memref_slice %arg2[%squeeze3A_120, %dma_start3A_131] : memref<320000x128xf32, #tpu.memory_space<hbm>> -> memref<1x128xf32, #tpu.memory_space<hbm>>
      tpu.enqueue_dma source(%dma_start3A_132 : memref<1x128xf32, #tpu.memory_space<hbm>>) target(%dma_start3A_130 : memref<1x128xf32, #tpu.memory_space<vmem>>) target_semaphore(%arg12 : memref<!tpu.dma_semaphore, #tpu.memory_space<semaphore_mem>>)
      %slice3A_133 = vector.extract_strided_slice %cond3A_98#1 {offsets = [2], sizes = [1], strides = [1]} : vector<16xi32> to vector<1xi32>
      %squeeze3A_134 = vector.extract %slice3A_133[0] : i32 from vector<1xi32>
      %mul3A_135 = arith.constant 16 : i32
      %mul3A_136 = arith.muli %scan3A_76, %mul3A_135 : i32
      %add3A_137 = arith.constant 2 : i32
      %add3A_138 = arith.addi %mul3A_136, %add3A_137 : i32
      %dma_start3A_139 = arith.constant 0 : i32
      %dma_start3A_140 = tpu.memref_slice %arg11[%add3A_138, %dma_start3A_139] : memref<320x128xf32, #tpu.memory_space<vmem>> -> memref<1x128xf32, #tpu.memory_space<vmem>>
      %dma_start3A_141 = arith.constant 0 : i32
      %dma_start3A_142 = tpu.memref_slice %arg2[%squeeze3A_134, %dma_start3A_141] : memref<320000x128xf32, #tpu.memory_space<hbm>> -> memref<1x128xf32, #tpu.memory_space<hbm>>
      %dma_start3A_143 = arith.constant 0 : i32
      %dma_start3A_144 = tpu.memref_slice %arg11[%add3A_138, %dma_start3A_143] : memref<320x128xf32, #tpu.memory_space<vmem>> -> memref<1x128xf32, #tpu.memory_space<vmem>>
      %dma_start3A_145 = arith.constant 0 : i32
      %dma_start3A_146 = tpu.memref_slice %arg2[%squeeze3A_134, %dma_start3A_145] : memref<320000x128xf32, #tpu.memory_space<hbm>> -> memref<1x128xf32, #tpu.memory_space<hbm>>
      tpu.enqueue_dma source(%dma_start3A_146 : memref<1x128xf32, #tpu.memory_space<hbm>>) target(%dma_start3A_144 : memref<1x128xf32, #tpu.memory_space<vmem>>) target_semaphore(%arg12 : memref<!tpu.dma_semaphore, #tpu.memory_space<semaphore_mem>>)
      %slice3A_147 = vector.extract_strided_slice %cond3A_98#1 {offsets = [3], sizes = [1], strides = [1]} : vector<16xi32> to vector<1xi32>
      %squeeze3A_148 = vector.extract %slice3A_147[0] : i32 from vector<1xi32>
      %mul3A_149 = arith.constant 16 : i32
      %mul3A_150 = arith.muli %scan3A_76, %mul3A_149 : i32
      %add3A_151 = arith.constant 3 : i32
      %add3A_152 = arith.addi %mul3A_150, %add3A_151 : i32
      %dma_start3A_153 = arith.constant 0 : i32
      %dma_start3A_154 = tpu.memref_slice %arg11[%add3A_152, %dma_start3A_153] : memref<320x128xf32, #tpu.memory_space<vmem>> -> memref<1x128xf32, #tpu.memory_space<vmem>>
      %dma_start3A_155 = arith.constant 0 : i32
      %dma_start3A_156 = tpu.memref_slice %arg2[%squeeze3A_148, %dma_start3A_155] : memref<320000x128xf32, #tpu.memory_space<hbm>> -> memref<1x128xf32, #tpu.memory_space<hbm>>
      %dma_start3A_157 = arith.constant 0 : i32
      %dma_start3A_158 = tpu.memref_slice %arg11[%add3A_152, %dma_start3A_157] : memref<320x128xf32, #tpu.memory_space<vmem>> -> memref<1x128xf32, #tpu.memory_space<vmem>>
      %dma_start3A_159 = arith.constant 0 : i32
      %dma_start3A_160 = tpu.memref_slice %arg2[%squeeze3A_148, %dma_start3A_159] : memref<320000x128xf32, #tpu.memory_space<hbm>> -> memref<1x128xf32, #tpu.memory_space<hbm>>
      tpu.enqueue_dma source(%dma_start3A_160 : memref<1x128xf32, #tpu.memory_space<hbm>>) target(%dma_start3A_158 : memref<1x128xf32, #tpu.memory_space<vmem>>) target_semaphore(%arg12 : memref<!tpu.dma_semaphore, #tpu.memory_space<semaphore_mem>>)
      %slice3A_161 = vector.extract_strided_slice %cond3A_98#1 {offsets = [4], sizes = [1], strides = [1]} : vector<16xi32> to vector<1xi32>
      %squeeze3A_162 = vector.extract %slice3A_161[0] : i32 from vector<1xi32>
      %mul3A_163 = arith.constant 16 : i32
      %mul3A_164 = arith.muli %scan3A_76, %mul3A_163 : i32
      %add3A_165 = arith.constant 4 : i32
      %add3A_166 = arith.addi %mul3A_164, %add3A_165 : i32
      %dma_start3A_167 = arith.constant 0 : i32
      %dma_start3A_168 = tpu.memref_slice %arg11[%add3A_166, %dma_start3A_167] : memref<320x128xf32, #tpu.memory_space<vmem>> -> memref<1x128xf32, #tpu.memory_space<vmem>>
      %dma_start3A_169 = arith.constant 0 : i32
      %dma_start3A_170 = tpu.memref_slice %arg2[%squeeze3A_162, %dma_start3A_169] : memref<320000x128xf32, #tpu.memory_space<hbm>> -> memref<1x128xf32, #tpu.memory_space<hbm>>
      %dma_start3A_171 = arith.constant 0 : i32
      %dma_start3A_172 = tpu.memref_slice %arg11[%add3A_166, %dma_start3A_171] : memref<320x128xf32, #tpu.memory_space<vmem>> -> memref<1x128xf32, #tpu.memory_space<vmem>>
      %dma_start3A_173 = arith.constant 0 : i32
      %dma_start3A_174 = tpu.memref_slice %arg2[%squeeze3A_162, %dma_start3A_173] : memref<320000x128xf32, #tpu.memory_space<hbm>> -> memref<1x128xf32, #tpu.memory_space<hbm>>
      tpu.enqueue_dma source(%dma_start3A_174 : memref<1x128xf32, #tpu.memory_space<hbm>>) target(%dma_start3A_172 : memref<1x128xf32, #tpu.memory_space<vmem>>) target_semaphore(%arg12 : memref<!tpu.dma_semaphore, #tpu.memory_space<semaphore_mem>>)
      %slice3A_175 = vector.extract_strided_slice %cond3A_98#1 {offsets = [5], sizes = [1], strides = [1]} : vector<16xi32> to vector<1xi32>
      %squeeze3A_176 = vector.extract %slice3A_175[0] : i32 from vector<1xi32>
      %mul3A_177 = arith.constant 16 : i32
      %mul3A_178 = arith.muli %scan3A_76, %mul3A_177 : i32
      %add3A_179 = arith.constant 5 : i32
      %add3A_180 = arith.addi %mul3A_178, %add3A_179 : i32
      %dma_start3A_181 = arith.constant 0 : i32
      %dma_start3A_182 = tpu.memref_slice %arg11[%add3A_180, %dma_start3A_181] : memref<320x128xf32, #tpu.memory_space<vmem>> -> memref<1x128xf32, #tpu.memory_space<vmem>>
      %dma_start3A_183 = arith.constant 0 : i32
      %dma_start3A_184 = tpu.memref_slice %arg2[%squeeze3A_176, %dma_start3A_183] : memref<320000x128xf32, #tpu.memory_space<hbm>> -> memref<1x128xf32, #tpu.memory_space<hbm>>
      %dma_start3A_185 = arith.constant 0 : i32
      %dma_start3A_186 = tpu.memref_slice %arg11[%add3A_180, %dma_start3A_185] : memref<320x128xf32, #tpu.memory_space<vmem>> -> memref<1x128xf32, #tpu.memory_space<vmem>>
      %dma_start3A_187 = arith.constant 0 : i32
      %dma_start3A_188 = tpu.memref_slice %arg2[%squeeze3A_176, %dma_start3A_187] : memref<320000x128xf32, #tpu.memory_space<hbm>> -> memref<1x128xf32, #tpu.memory_space<hbm>>
      tpu.enqueue_dma source(%dma_start3A_188 : memref<1x128xf32, #tpu.memory_space<hbm>>) target(%dma_start3A_186 : memref<1x128xf32, #tpu.memory_space<vmem>>) target_semaphore(%arg12 : memref<!tpu.dma_semaphore, #tpu.memory_space<semaphore_mem>>)
      %slice3A_189 = vector.extract_strided_slice %cond3A_98#1 {offsets = [6], sizes = [1], strides = [1]} : vector<16xi32> to vector<1xi32>
      %squeeze3A_190 = vector.extract %slice3A_189[0] : i32 from vector<1xi32>
      %mul3A_191 = arith.constant 16 : i32
      %mul3A_192 = arith.muli %scan3A_76, %mul3A_191 : i32
      %add3A_193 = arith.constant 6 : i32
      %add3A_194 = arith.addi %mul3A_192, %add3A_193 : i32
      %dma_start3A_195 = arith.constant 0 : i32
      %dma_start3A_196 = tpu.memref_slice %arg11[%add3A_194, %dma_start3A_195] : memref<320x128xf32, #tpu.memory_space<vmem>> -> memref<1x128xf32, #tpu.memory_space<vmem>>
      %dma_start3A_197 = arith.constant 0 : i32
      %dma_start3A_198 = tpu.memref_slice %arg2[%squeeze3A_190, %dma_start3A_197] : memref<320000x128xf32, #tpu.memory_space<hbm>> -> memref<1x128xf32, #tpu.memory_space<hbm>>
      %dma_start3A_199 = arith.constant 0 : i32
      %dma_start3A_200 = tpu.memref_slice %arg11[%add3A_194, %dma_start3A_199] : memref<320x128xf32, #tpu.memory_space<vmem>> -> memref<1x128xf32, #tpu.memory_space<vmem>>
      %dma_start3A_201 = arith.constant 0 : i32
      %dma_start3A_202 = tpu.memref_slice %arg2[%squeeze3A_190, %dma_start3A_201] : memref<320000x128xf32, #tpu.memory_space<hbm>> -> memref<1x128xf32, #tpu.memory_space<hbm>>
      tpu.enqueue_dma source(%dma_start3A_202 : memref<1x128xf32, #tpu.memory_space<hbm>>) target(%dma_start3A_200 : memref<1x128xf32, #tpu.memory_space<vmem>>) target_semaphore(%arg12 : memref<!tpu.dma_semaphore, #tpu.memory_space<semaphore_mem>>)
      %slice3A_203 = vector.extract_strided_slice %cond3A_98#1 {offsets = [7], sizes = [1], strides = [1]} : vector<16xi32> to vector<1xi32>
      %squeeze3A_204 = vector.extract %slice3A_203[0] : i32 from vector<1xi32>
      %mul3A_205 = arith.constant 16 : i32
      %mul3A_206 = arith.muli %scan3A_76, %mul3A_205 : i32
      %add3A_207 = arith.constant 7 : i32
      %add3A_208 = arith.addi %mul3A_206, %add3A_207 : i32
      %dma_start3A_209 = arith.constant 0 : i32
      %dma_start3A_210 = tpu.memref_slice %arg11[%add3A_208, %dma_start3A_209] : memref<320x128xf32, #tpu.memory_space<vmem>> -> memref<1x128xf32, #tpu.memory_space<vmem>>
      %dma_start3A_211 = arith.constant 0 : i32
      %dma_start3A_212 = tpu.memref_slice %arg2[%squeeze3A_204, %dma_start3A_211] : memref<320000x128xf32, #tpu.memory_space<hbm>> -> memref<1x128xf32, #tpu.memory_space<hbm>>
      %dma_start3A_213 = arith.constant 0 : i32
      %dma_start3A_214 = tpu.memref_slice %arg11[%add3A_208, %dma_start3A_213] : memref<320x128xf32, #tpu.memory_space<vmem>> -> memref<1x128xf32, #tpu.memory_space<vmem>>
      %dma_start3A_215 = arith.constant 0 : i32
      %dma_start3A_216 = tpu.memref_slice %arg2[%squeeze3A_204, %dma_start3A_215] : memref<320000x128xf32, #tpu.memory_space<hbm>> -> memref<1x128xf32, #tpu.memory_space<hbm>>
      tpu.enqueue_dma source(%dma_start3A_216 : memref<1x128xf32, #tpu.memory_space<hbm>>) target(%dma_start3A_214 : memref<1x128xf32, #tpu.memory_space<vmem>>) target_semaphore(%arg12 : memref<!tpu.dma_semaphore, #tpu.memory_space<semaphore_mem>>)
      %slice3A_217 = vector.extract_strided_slice %cond3A_98#1 {offsets = [8], sizes = [1], strides = [1]} : vector<16xi32> to vector<1xi32>
      %squeeze3A_218 = vector.extract %slice3A_217[0] : i32 from vector<1xi32>
      %mul3A_219 = arith.constant 16 : i32
      %mul3A_220 = arith.muli %scan3A_76, %mul3A_219 : i32
      %add3A_221 = arith.constant 8 : i32
      %add3A_222 = arith.addi %mul3A_220, %add3A_221 : i32
      %dma_start3A_223 = arith.constant 0 : i32
      %dma_start3A_224 = tpu.memref_slice %arg11[%add3A_222, %dma_start3A_223] : memref<320x128xf32, #tpu.memory_space<vmem>> -> memref<1x128xf32, #tpu.memory_space<vmem>>
      %dma_start3A_225 = arith.constant 0 : i32
      %dma_start3A_226 = tpu.memref_slice %arg2[%squeeze3A_218, %dma_start3A_225] : memref<320000x128xf32, #tpu.memory_space<hbm>> -> memref<1x128xf32, #tpu.memory_space<hbm>>
      %dma_start3A_227 = arith.constant 0 : i32
      %dma_start3A_228 = tpu.memref_slice %arg11[%add3A_222, %dma_start3A_227] : memref<320x128xf32, #tpu.memory_space<vmem>> -> memref<1x128xf32, #tpu.memory_space<vmem>>
      %dma_start3A_229 = arith.constant 0 : i32
      %dma_start3A_230 = tpu.memref_slice %arg2[%squeeze3A_218, %dma_start3A_229] : memref<320000x128xf32, #tpu.memory_space<hbm>> -> memref<1x128xf32, #tpu.memory_space<hbm>>
      tpu.enqueue_dma source(%dma_start3A_230 : memref<1x128xf32, #tpu.memory_space<hbm>>) target(%dma_start3A_228 : memref<1x128xf32, #tpu.memory_space<vmem>>) target_semaphore(%arg12 : memref<!tpu.dma_semaphore, #tpu.memory_space<semaphore_mem>>)
      %slice3A_231 = vector.extract_strided_slice %cond3A_98#1 {offsets = [9], sizes = [1], strides = [1]} : vector<16xi32> to vector<1xi32>
      %squeeze3A_232 = vector.extract %slice3A_231[0] : i32 from vector<1xi32>
      %mul3A_233 = arith.constant 16 : i32
      %mul3A_234 = arith.muli %scan3A_76, %mul3A_233 : i32
      %add3A_235 = arith.constant 9 : i32
      %add3A_236 = arith.addi %mul3A_234, %add3A_235 : i32
      %dma_start3A_237 = arith.constant 0 : i32
      %dma_start3A_238 = tpu.memref_slice %arg11[%add3A_236, %dma_start3A_237] : memref<320x128xf32, #tpu.memory_space<vmem>> -> memref<1x128xf32, #tpu.memory_space<vmem>>
      %dma_start3A_239 = arith.constant 0 : i32
      %dma_start3A_240 = tpu.memref_slice %arg2[%squeeze3A_232, %dma_start3A_239] : memref<320000x128xf32, #tpu.memory_space<hbm>> -> memref<1x128xf32, #tpu.memory_space<hbm>>
      %dma_start3A_241 = arith.constant 0 : i32
      %dma_start3A_242 = tpu.memref_slice %arg11[%add3A_236, %dma_start3A_241] : memref<320x128xf32, #tpu.memory_space<vmem>> -> memref<1x128xf32, #tpu.memory_space<vmem>>
      %dma_start3A_243 = arith.constant 0 : i32
      %dma_start3A_244 = tpu.memref_slice %arg2[%squeeze3A_232, %dma_start3A_243] : memref<320000x128xf32, #tpu.memory_space<hbm>> -> memref<1x128xf32, #tpu.memory_space<hbm>>
      tpu.enqueue_dma source(%dma_start3A_244 : memref<1x128xf32, #tpu.memory_space<hbm>>) target(%dma_start3A_242 : memref<1x128xf32, #tpu.memory_space<vmem>>) target_semaphore(%arg12 : memref<!tpu.dma_semaphore, #tpu.memory_space<semaphore_mem>>)
      %slice3A_245 = vector.extract_strided_slice %cond3A_98#1 {offsets = [10], sizes = [1], strides = [1]} : vector<16xi32> to vector<1xi32>
      %squeeze3A_246 = vector.extract %slice3A_245[0] : i32 from vector<1xi32>
      %mul3A_247 = arith.constant 16 : i32
      %mul3A_248 = arith.muli %scan3A_76, %mul3A_247 : i32
      %add3A_249 = arith.constant 10 : i32
      %add3A_250 = arith.addi %mul3A_248, %add3A_249 : i32
      %dma_start3A_251 = arith.constant 0 : i32
      %dma_start3A_252 = tpu.memref_slice %arg11[%add3A_250, %dma_start3A_251] : memref<320x128xf32, #tpu.memory_space<vmem>> -> memref<1x128xf32, #tpu.memory_space<vmem>>
      %dma_start3A_253 = arith.constant 0 : i32
      %dma_start3A_254 = tpu.memref_slice %arg2[%squeeze3A_246, %dma_start3A_253] : memref<320000x128xf32, #tpu.memory_space<hbm>> -> memref<1x128xf32, #tpu.memory_space<hbm>>
      %dma_start3A_255 = arith.constant 0 : i32
      %dma_start3A_256 = tpu.memref_slice %arg11[%add3A_250, %dma_start3A_255] : memref<320x128xf32, #tpu.memory_space<vmem>> -> memref<1x128xf32, #tpu.memory_space<vmem>>
      %dma_start3A_257 = arith.constant 0 : i32
      %dma_start3A_258 = tpu.memref_slice %arg2[%squeeze3A_246, %dma_start3A_257] : memref<320000x128xf32, #tpu.memory_space<hbm>> -> memref<1x128xf32, #tpu.memory_space<hbm>>
      tpu.enqueue_dma source(%dma_start3A_258 : memref<1x128xf32, #tpu.memory_space<hbm>>) target(%dma_start3A_256 : memref<1x128xf32, #tpu.memory_space<vmem>>) target_semaphore(%arg12 : memref<!tpu.dma_semaphore, #tpu.memory_space<semaphore_mem>>)
      %slice3A_259 = vector.extract_strided_slice %cond3A_98#1 {offsets = [11], sizes = [1], strides = [1]} : vector<16xi32> to vector<1xi32>
      %squeeze3A_260 = vector.extract %slice3A_259[0] : i32 from vector<1xi32>
      %mul3A_261 = arith.constant 16 : i32
      %mul3A_262 = arith.muli %scan3A_76, %mul3A_261 : i32
      %add3A_263 = arith.constant 11 : i32
      %add3A_264 = arith.addi %mul3A_262, %add3A_263 : i32
      %dma_start3A_265 = arith.constant 0 : i32
      %dma_start3A_266 = tpu.memref_slice %arg11[%add3A_264, %dma_start3A_265] : memref<320x128xf32, #tpu.memory_space<vmem>> -> memref<1x128xf32, #tpu.memory_space<vmem>>
      %dma_start3A_267 = arith.constant 0 : i32
      %dma_start3A_268 = tpu.memref_slice %arg2[%squeeze3A_260, %dma_start3A_267] : memref<320000x128xf32, #tpu.memory_space<hbm>> -> memref<1x128xf32, #tpu.memory_space<hbm>>
      %dma_start3A_269 = arith.constant 0 : i32
      %dma_start3A_270 = tpu.memref_slice %arg11[%add3A_264, %dma_start3A_269] : memref<320x128xf32, #tpu.memory_space<vmem>> -> memref<1x128xf32, #tpu.memory_space<vmem>>
      %dma_start3A_271 = arith.constant 0 : i32
      %dma_start3A_272 = tpu.memref_slice %arg2[%squeeze3A_260, %dma_start3A_271] : memref<320000x128xf32, #tpu.memory_space<hbm>> -> memref<1x128xf32, #tpu.memory_space<hbm>>
      tpu.enqueue_dma source(%dma_start3A_272 : memref<1x128xf32, #tpu.memory_space<hbm>>) target(%dma_start3A_270 : memref<1x128xf32, #tpu.memory_space<vmem>>) target_semaphore(%arg12 : memref<!tpu.dma_semaphore, #tpu.memory_space<semaphore_mem>>)
      %slice3A_273 = vector.extract_strided_slice %cond3A_98#1 {offsets = [12], sizes = [1], strides = [1]} : vector<16xi32> to vector<1xi32>
      %squeeze3A_274 = vector.extract %slice3A_273[0] : i32 from vector<1xi32>
      %mul3A_275 = arith.constant 16 : i32
      %mul3A_276 = arith.muli %scan3A_76, %mul3A_275 : i32
      %add3A_277 = arith.constant 12 : i32
      %add3A_278 = arith.addi %mul3A_276, %add3A_277 : i32
      %dma_start3A_279 = arith.constant 0 : i32
      %dma_start3A_280 = tpu.memref_slice %arg11[%add3A_278, %dma_start3A_279] : memref<320x128xf32, #tpu.memory_space<vmem>> -> memref<1x128xf32, #tpu.memory_space<vmem>>
      %dma_start3A_281 = arith.constant 0 : i32
      %dma_start3A_282 = tpu.memref_slice %arg2[%squeeze3A_274, %dma_start3A_281] : memref<320000x128xf32, #tpu.memory_space<hbm>> -> memref<1x128xf32, #tpu.memory_space<hbm>>
      %dma_start3A_283 = arith.constant 0 : i32
      %dma_start3A_284 = tpu.memref_slice %arg11[%add3A_278, %dma_start3A_283] : memref<320x128xf32, #tpu.memory_space<vmem>> -> memref<1x128xf32, #tpu.memory_space<vmem>>
      %dma_start3A_285 = arith.constant 0 : i32
      %dma_start3A_286 = tpu.memref_slice %arg2[%squeeze3A_274, %dma_start3A_285] : memref<320000x128xf32, #tpu.memory_space<hbm>> -> memref<1x128xf32, #tpu.memory_space<hbm>>
      tpu.enqueue_dma source(%dma_start3A_286 : memref<1x128xf32, #tpu.memory_space<hbm>>) target(%dma_start3A_284 : memref<1x128xf32, #tpu.memory_space<vmem>>) target_semaphore(%arg12 : memref<!tpu.dma_semaphore, #tpu.memory_space<semaphore_mem>>)
      %slice3A_287 = vector.extract_strided_slice %cond3A_98#1 {offsets = [13], sizes = [1], strides = [1]} : vector<16xi32> to vector<1xi32>
      %squeeze3A_288 = vector.extract %slice3A_287[0] : i32 from vector<1xi32>
      %mul3A_289 = arith.constant 16 : i32
      %mul3A_290 = arith.muli %scan3A_76, %mul3A_289 : i32
      %add3A_291 = arith.constant 13 : i32
      %add3A_292 = arith.addi %mul3A_290, %add3A_291 : i32
      %dma_start3A_293 = arith.constant 0 : i32
      %dma_start3A_294 = tpu.memref_slice %arg11[%add3A_292, %dma_start3A_293] : memref<320x128xf32, #tpu.memory_space<vmem>> -> memref<1x128xf32, #tpu.memory_space<vmem>>
      %dma_start3A_295 = arith.constant 0 : i32
      %dma_start3A_296 = tpu.memref_slice %arg2[%squeeze3A_288, %dma_start3A_295] : memref<320000x128xf32, #tpu.memory_space<hbm>> -> memref<1x128xf32, #tpu.memory_space<hbm>>
      %dma_start3A_297 = arith.constant 0 : i32
      %dma_start3A_298 = tpu.memref_slice %arg11[%add3A_292, %dma_start3A_297] : memref<320x128xf32, #tpu.memory_space<vmem>> -> memref<1x128xf32, #tpu.memory_space<vmem>>
      %dma_start3A_299 = arith.constant 0 : i32
      %dma_start3A_300 = tpu.memref_slice %arg2[%squeeze3A_288, %dma_start3A_299] : memref<320000x128xf32, #tpu.memory_space<hbm>> -> memref<1x128xf32, #tpu.memory_space<hbm>>
      tpu.enqueue_dma source(%dma_start3A_300 : memref<1x128xf32, #tpu.memory_space<hbm>>) target(%dma_start3A_298 : memref<1x128xf32, #tpu.memory_space<vmem>>) target_semaphore(%arg12 : memref<!tpu.dma_semaphore, #tpu.memory_space<semaphore_mem>>)
      %slice3A_301 = vector.extract_strided_slice %cond3A_98#1 {offsets = [14], sizes = [1], strides = [1]} : vector<16xi32> to vector<1xi32>
      %squeeze3A_302 = vector.extract %slice3A_301[0] : i32 from vector<1xi32>
      %mul3A_303 = arith.constant 16 : i32
      %mul3A_304 = arith.muli %scan3A_76, %mul3A_303 : i32
      %add3A_305 = arith.constant 14 : i32
      %add3A_306 = arith.addi %mul3A_304, %add3A_305 : i32
      %dma_start3A_307 = arith.constant 0 : i32
      %dma_start3A_308 = tpu.memref_slice %arg11[%add3A_306, %dma_start3A_307] : memref<320x128xf32, #tpu.memory_space<vmem>> -> memref<1x128xf32, #tpu.memory_space<vmem>>
      %dma_start3A_309 = arith.constant 0 : i32
      %dma_start3A_310 = tpu.memref_slice %arg2[%squeeze3A_302, %dma_start3A_309] : memref<320000x128xf32, #tpu.memory_space<hbm>> -> memref<1x128xf32, #tpu.memory_space<hbm>>
      %dma_start3A_311 = arith.constant 0 : i32
      %dma_start3A_312 = tpu.memref_slice %arg11[%add3A_306, %dma_start3A_311] : memref<320x128xf32, #tpu.memory_space<vmem>> -> memref<1x128xf32, #tpu.memory_space<vmem>>
      %dma_start3A_313 = arith.constant 0 : i32
      %dma_start3A_314 = tpu.memref_slice %arg2[%squeeze3A_302, %dma_start3A_313] : memref<320000x128xf32, #tpu.memory_space<hbm>> -> memref<1x128xf32, #tpu.memory_space<hbm>>
      tpu.enqueue_dma source(%dma_start3A_314 : memref<1x128xf32, #tpu.memory_space<hbm>>) target(%dma_start3A_312 : memref<1x128xf32, #tpu.memory_space<vmem>>) target_semaphore(%arg12 : memref<!tpu.dma_semaphore, #tpu.memory_space<semaphore_mem>>)
      %slice3A_315 = vector.extract_strided_slice %cond3A_98#1 {offsets = [15], sizes = [1], strides = [1]} : vector<16xi32> to vector<1xi32>
      %squeeze3A_316 = vector.extract %slice3A_315[0] : i32 from vector<1xi32>
      %mul3A_317 = arith.constant 16 : i32
      %mul3A_318 = arith.muli %scan3A_76, %mul3A_317 : i32
      %add3A_319 = arith.constant 15 : i32
      %add3A_320 = arith.addi %mul3A_318, %add3A_319 : i32
      %dma_start3A_321 = arith.constant 0 : i32
      %dma_start3A_322 = tpu.memref_slice %arg11[%add3A_320, %dma_start3A_321] : memref<320x128xf32, #tpu.memory_space<vmem>> -> memref<1x128xf32, #tpu.memory_space<vmem>>
      %dma_start3A_323 = arith.constant 0 : i32
      %dma_start3A_324 = tpu.memref_slice %arg2[%squeeze3A_316, %dma_start3A_323] : memref<320000x128xf32, #tpu.memory_space<hbm>> -> memref<1x128xf32, #tpu.memory_space<hbm>>
      %dma_start3A_325 = arith.constant 0 : i32
      %dma_start3A_326 = tpu.memref_slice %arg11[%add3A_320, %dma_start3A_325] : memref<320x128xf32, #tpu.memory_space<vmem>> -> memref<1x128xf32, #tpu.memory_space<vmem>>
      %dma_start3A_327 = arith.constant 0 : i32
      %dma_start3A_328 = tpu.memref_slice %arg2[%squeeze3A_316, %dma_start3A_327] : memref<320000x128xf32, #tpu.memory_space<hbm>> -> memref<1x128xf32, #tpu.memory_space<hbm>>
      tpu.enqueue_dma source(%dma_start3A_328 : memref<1x128xf32, #tpu.memory_space<hbm>>) target(%dma_start3A_326 : memref<1x128xf32, #tpu.memory_space<vmem>>) target_semaphore(%arg12 : memref<!tpu.dma_semaphore, #tpu.memory_space<semaphore_mem>>)
      scf.yield %cond3A_98#0 : i32
    }
    %scan3A_55 = arith.constant 20 : i32
    "tpu.trace_stop"() : () -> ()
    "tpu.trace_start"() <{level = 10 : i32, message = "p2gather"}> : () -> ()
    %scan3A_56 = arith.constant 0 : i32
    %scan3A_57 = arith.constant 0 : i32
    %scan3A_58 = arith.constant 320 : i32
    %scan3A_59 = arith.addi %scan3A_57, %scan3A_58 : i32
    %scan3A_60 = arith.constant 1 : i32
    %scan3A_61 = scf.for %scan3A_76 = %scan3A_57 to %scan3A_59 step %scan3A_60 iter_args(%scan3A_77 = %scan3A_56) -> (i32)  : i32 {
      %dma_wait3A = arith.constant 0 : i32
      %dma_wait3A_78 = arith.constant 0 : i32
      %dma_wait3A_79 = tpu.memref_slice %arg11[%dma_wait3A, %dma_wait3A_78] : memref<320x128xf32, #tpu.memory_space<vmem>> -> memref<1x128xf32, #tpu.memory_space<vmem>>
      %dma_wait3A_80 = arith.constant 0 : i32
      %dma_wait3A_81 = arith.constant 0 : i32
      %dma_wait3A_82 = tpu.memref_slice %arg2[%dma_wait3A_80, %dma_wait3A_81] : memref<320000x128xf32, #tpu.memory_space<hbm>> -> memref<1x128xf32, #tpu.memory_space<hbm>>
      %dma_wait3A_83 = arith.constant 0 : i32
      %dma_wait3A_84 = arith.constant 0 : i32
      %dma_wait3A_85 = tpu.memref_slice %arg11[%dma_wait3A_83, %dma_wait3A_84] : memref<320x128xf32, #tpu.memory_space<vmem>> -> memref<1x128xf32, #tpu.memory_space<vmem>>
      %dma_wait3A_86 = arith.constant 0 : i32
      %dma_wait3A_87 = arith.constant 0 : i32
      %dma_wait3A_88 = tpu.memref_slice %arg2[%dma_wait3A_86, %dma_wait3A_87] : memref<320000x128xf32, #tpu.memory_space<hbm>> -> memref<1x128xf32, #tpu.memory_space<hbm>>
      tpu.wait_dma2 semaphore(%arg12 : memref<!tpu.dma_semaphore, #tpu.memory_space<semaphore_mem>>) src(%dma_wait3A_88 : memref<1x128xf32, #tpu.memory_space<hbm>>) dst(%dma_wait3A_85 : memref<1x128xf32, #tpu.memory_space<vmem>>)
      %scan3A_89 = arith.constant 0 : i32
      scf.yield %scan3A_89 : i32
    }
    %scan3A_62 = arith.constant 320 : i32
    "tpu.trace_stop"() : () -> ()
    "tpu.trace_start"() <{level = 10 : i32, message = "p3zero"}> : () -> ()
    %scan3A_63 = arith.constant 0 : i32
    %scan3A_64 = arith.constant 0 : i32
    %scan3A_65 = arith.constant 20 : i32
    %scan3A_66 = arith.addi %scan3A_64, %scan3A_65 : i32
    %scan3A_67 = arith.constant 1 : i32
    %scan3A_68 = scf.for %scan3A_76 = %scan3A_64 to %scan3A_66 step %scan3A_67 iter_args(%scan3A_77 = %scan3A_63) -> (i32)  : i32 {
      %mul3A_78 = arith.constant 16 : i32
      %mul3A_79 = arith.muli %scan3A_76, %mul3A_78 : i32
      %get3A_80 = arith.index_cast %mul3A_79 : i32 to index
      %get3A_81 = tpu.vector_load %arg10[%get3A_80] {strides = array<i32>} : memref<336xi32, #tpu.memory_space<vmem>>, vector<16xi32>,
      %reduce_min3A = arith.constant true
      %reduce_min3A_82 = vector.broadcast %reduce_min3A : i1 to vector<16xi1>
      %reduce_min3A_83 = arith.constant -2147483648 : i32
      %reduce_min3A_84 = vector.broadcast %reduce_min3A_83 : i32 to vector<16xi32>
      %reduce_min3A_85 = arith.xori %get3A_81, %reduce_min3A_84 : vector<16xi32>
      %reduce_min3A_86 = tpu.scan <min>, %reduce_min3A_85 masked %reduce_min3A_82 : vector<16xi32>, vector<16xi1> -> vector<16xi32>
      %reduce_min3A_87 = arith.xori %reduce_min3A_86, %reduce_min3A_84 : vector<16xi32>
      %reduce_min3A_88 = vector.extract %reduce_min3A_87[15] : i32 from vector<16xi32>
      %eq3A_89 = arith.constant 0 : i32
      %eq3A_90 = arith.cmpi eq, %reduce_min3A_88, %eq3A_89 : i32
      %convert_element_type3A_91 = arith.extui %eq3A_90 : i1 to i32
      %cond3A_92 = arith.constant 0 : i32
      %cond3A_93 = arith.cmpi ne, %convert_element_type3A_91, %cond3A_92 : i32
      scf.if %cond3A_93 {
        %scan3A_95 = arith.constant 0 : i32
        %scan3A_96 = arith.constant 0 : i32
        %scan3A_97 = arith.constant 16 : i32
        %scan3A_98 = arith.addi %scan3A_96, %scan3A_97 : i32
        %scan3A_99 = arith.constant 1 : i32
        %scan3A_100 = scf.for %scan3A_102 = %scan3A_96 to %scan3A_98 step %scan3A_99 iter_args(%scan3A_103 = %scan3A_95) -> (i32)  : i32 {
          %mul3A_104 = arith.constant 16 : i32
          %mul3A_105 = arith.muli %scan3A_76, %mul3A_104 : i32
          %add3A_106 = arith.addi %mul3A_105, %scan3A_102 : i32
          %get3A_107 = arith.index_cast %add3A_106 : i32 to index
          %get3A_108 = tpu.vector_load %arg10[%get3A_107] {strides = array<i32>} : memref<336xi32, #tpu.memory_space<vmem>>, vector<16xi32>,
          %slice3A_109 = vector.extract_strided_slice %get3A_108 {offsets = [0], sizes = [1], strides = [1]} : vector<16xi32> to vector<1xi32>
          %squeeze3A_110 = vector.extract %slice3A_109[0] : i32 from vector<1xi32>
          %eq3A_111 = arith.constant 0 : i32
          %eq3A_112 = arith.cmpi eq, %squeeze3A_110, %eq3A_111 : i32
          %convert_element_type3A_113 = arith.extui %eq3A_112 : i1 to i32
          %cond3A_114 = arith.constant 0 : i32
          %cond3A_115 = arith.cmpi ne, %convert_element_type3A_113, %cond3A_114 : i32
          scf.if %cond3A_115 {
            %swap3A = arith.index_cast %add3A_106 : i32 to index
            %swap3A_117 = arith.constant 0 : index
            %swap3A_118 = tpu.vector_load %arg11[%swap3A, %swap3A_117] {strides = array<i32>} : memref<320x128xf32, #tpu.memory_space<vmem>>, vector<16xf32>,
            tpu.vector_store %arg11[%swap3A, %swap3A_117], %broadcast_in_dim3A_5 {strides = array<i32>} : memref<320x128xf32, #tpu.memory_space<vmem>>, vector<16xf32>,
            %swap3A_119 = arith.index_cast %add3A_106 : i32 to index
            %swap3A_120 = arith.constant 16 : index
            %swap3A_121 = tpu.vector_load %arg11[%swap3A_119, %swap3A_120] {strides = array<i32>} : memref<320x128xf32, #tpu.memory_space<vmem>>, vector<16xf32>,
            tpu.vector_store %arg11[%swap3A_119, %swap3A_120], %broadcast_in_dim3A_5 {strides = array<i32>} : memref<320x128xf32, #tpu.memory_space<vmem>>, vector<16xf32>,
            %swap3A_122 = arith.index_cast %add3A_106 : i32 to index
            %swap3A_123 = arith.constant 32 : index
            %swap3A_124 = tpu.vector_load %arg11[%swap3A_122, %swap3A_123] {strides = array<i32>} : memref<320x128xf32, #tpu.memory_space<vmem>>, vector<16xf32>,
            tpu.vector_store %arg11[%swap3A_122, %swap3A_123], %broadcast_in_dim3A_5 {strides = array<i32>} : memref<320x128xf32, #tpu.memory_space<vmem>>, vector<16xf32>,
            %swap3A_125 = arith.index_cast %add3A_106 : i32 to index
            %swap3A_126 = arith.constant 48 : index
            %swap3A_127 = tpu.vector_load %arg11[%swap3A_125, %swap3A_126] {strides = array<i32>} : memref<320x128xf32, #tpu.memory_space<vmem>>, vector<16xf32>,
            tpu.vector_store %arg11[%swap3A_125, %swap3A_126], %broadcast_in_dim3A_5 {strides = array<i32>} : memref<320x128xf32, #tpu.memory_space<vmem>>, vector<16xf32>,
            %swap3A_128 = arith.index_cast %add3A_106 : i32 to index
            %swap3A_129 = arith.constant 64 : index
            %swap3A_130 = tpu.vector_load %arg11[%swap3A_128, %swap3A_129] {strides = array<i32>} : memref<320x128xf32, #tpu.memory_space<vmem>>, vector<16xf32>,
            tpu.vector_store %arg11[%swap3A_128, %swap3A_129], %broadcast_in_dim3A_5 {strides = array<i32>} : memref<320x128xf32, #tpu.memory_space<vmem>>, vector<16xf32>,
            %swap3A_131 = arith.index_cast %add3A_106 : i32 to index
            %swap3A_132 = arith.constant 80 : index
            %swap3A_133 = tpu.vector_load %arg11[%swap3A_131, %swap3A_132] {strides = array<i32>} : memref<320x128xf32, #tpu.memory_space<vmem>>, vector<16xf32>,
            tpu.vector_store %arg11[%swap3A_131, %swap3A_132], %broadcast_in_dim3A_5 {strides = array<i32>} : memref<320x128xf32, #tpu.memory_space<vmem>>, vector<16xf32>,
            %swap3A_134 = arith.index_cast %add3A_106 : i32 to index
            %swap3A_135 = arith.constant 96 : index
            %swap3A_136 = tpu.vector_load %arg11[%swap3A_134, %swap3A_135] {strides = array<i32>} : memref<320x128xf32, #tpu.memory_space<vmem>>, vector<16xf32>,
            tpu.vector_store %arg11[%swap3A_134, %swap3A_135], %broadcast_in_dim3A_5 {strides = array<i32>} : memref<320x128xf32, #tpu.memory_space<vmem>>, vector<16xf32>,
            %swap3A_137 = arith.index_cast %add3A_106 : i32 to index
            %swap3A_138 = arith.constant 112 : index
            %swap3A_139 = tpu.vector_load %arg11[%swap3A_137, %swap3A_138] {strides = array<i32>} : memref<320x128xf32, #tpu.memory_space<vmem>>, vector<16xf32>,
            tpu.vector_store %arg11[%swap3A_137, %swap3A_138], %broadcast_in_dim3A_5 {strides = array<i32>} : memref<320x128xf32, #tpu.memory_space<vmem>>, vector<16xf32>,
          } else {
          }
          %scan3A_116 = arith.constant 0 : i32
          scf.yield %scan3A_116 : i32
        }
        %scan3A_101 = arith.constant 16 : i32
      } else {
      }
      %scan3A_94 = arith.constant 0 : i32
      scf.yield %scan3A_94 : i32
    }
    %scan3A_69 = arith.constant 20 : i32
    %lt3A = arith.constant 31 : i32
    "tpu.trace_stop"() : () -> ()
    "tpu.trace_start"() <{level = 10 : i32, message = "p4out"}> : () -> ()
    %lt3A_70 = arith.cmpi slt, %add3A, %lt3A : i32
    %convert_element_type3A = arith.extui %lt3A_70 : i1 to i32
    %cond3A = arith.constant 0 : i32
    %cond3A_71 = arith.cmpi ne, %convert_element_type3A, %cond3A : i32
    scf.if %cond3A_71 {
      "tpu.region"() ({
        %run_scoped3A = tpu.sem_alloc : memref<!tpu.dma_semaphore, #tpu.memory_space<semaphore_mem>>
        %dma_start3A = arith.constant 0 : i32
        %dma_start3A_76 = arith.constant 0 : i32
        %dma_start3A_77 = tpu.memref_slice %arg11[%dma_start3A, %dma_start3A_76] : memref<320x128xf32, #tpu.memory_space<vmem>> -> memref<320x128xf32, #tpu.memory_space<vmem>>
        %dma_start3A_78 = arith.constant 0 : i32
        %dma_start3A_79 = tpu.memref_slice %arg5[%multiple_of3A, %dma_start3A_78] : memref<10000x128xf32, #tpu.memory_space<hbm>> -> memref<320x128xf32, #tpu.memory_space<hbm>>
        %dma_start3A_80 = arith.constant 0 : i32
        %dma_start3A_81 = tpu.memref_slice %arg5[%multiple_of3A, %dma_start3A_80] : memref<10000x128xf32, #tpu.memory_space<hbm>> -> memref<320x128xf32, #tpu.memory_space<hbm>>
        %dma_start3A_82 = arith.constant 0 : i32
        %dma_start3A_83 = arith.constant 0 : i32
        %dma_start3A_84 = tpu.memref_slice %arg11[%dma_start3A_82, %dma_start3A_83] : memref<320x128xf32, #tpu.memory_space<vmem>> -> memref<320x128xf32, #tpu.memory_space<vmem>>
        tpu.enqueue_dma source(%dma_start3A_84 : memref<320x128xf32, #tpu.memory_space<vmem>>) target(%dma_start3A_81 : memref<320x128xf32, #tpu.memory_space<hbm>>) target_semaphore(%run_scoped3A : memref<!tpu.dma_semaphore, #tpu.memory_space<semaphore_mem>>)
        %dma_wait3A = arith.constant 0 : i32
        %dma_wait3A_85 = arith.constant 0 : i32
        %dma_wait3A_86 = tpu.memref_slice %arg11[%dma_wait3A, %dma_wait3A_85] : memref<320x128xf32, #tpu.memory_space<vmem>> -> memref<320x128xf32, #tpu.memory_space<vmem>>
        %dma_wait3A_87 = arith.constant 0 : i32
        %dma_wait3A_88 = tpu.memref_slice %arg5[%multiple_of3A, %dma_wait3A_87] : memref<10000x128xf32, #tpu.memory_space<hbm>> -> memref<320x128xf32, #tpu.memory_space<hbm>>
        %dma_wait3A_89 = arith.constant 0 : i32
        %dma_wait3A_90 = tpu.memref_slice %arg5[%multiple_of3A, %dma_wait3A_89] : memref<10000x128xf32, #tpu.memory_space<hbm>> -> memref<320x128xf32, #tpu.memory_space<hbm>>
        %dma_wait3A_91 = arith.constant 0 : i32
        %dma_wait3A_92 = arith.constant 0 : i32
        %dma_wait3A_93 = tpu.memref_slice %arg11[%dma_wait3A_91, %dma_wait3A_92] : memref<320x128xf32, #tpu.memory_space<vmem>> -> memref<320x128xf32, #tpu.memory_space<vmem>>
        tpu.wait_dma2 semaphore(%run_scoped3A : memref<!tpu.dma_semaphore, #tpu.memory_space<semaphore_mem>>) src(%dma_wait3A_93 : memref<320x128xf32, #tpu.memory_space<vmem>>) dst(%dma_wait3A_90 : memref<320x128xf32, #tpu.memory_space<hbm>>)
        tpu.yield
      }) : () -> ()
      "tpu.region"() ({
        %run_scoped3A = tpu.sem_alloc : memref<!tpu.dma_semaphore, #tpu.memory_space<semaphore_mem>>
        %dma_start3A = arith.constant 0 : i32
        %dma_start3A_76 = tpu.memref_slice %arg10[%dma_start3A] : memref<336xi32, #tpu.memory_space<vmem>> -> memref<320xi32, #tpu.memory_space<vmem>>
        %dma_start3A_77 = tpu.memref_slice %arg6[%multiple_of3A] : memref<10000xi32, #tpu.memory_space<hbm>> -> memref<320xi32, #tpu.memory_space<hbm>>
        %dma_start3A_78 = tpu.memref_slice %arg6[%multiple_of3A] : memref<10000xi32, #tpu.memory_space<hbm>> -> memref<320xi32, #tpu.memory_space<hbm>>
        %dma_start3A_79 = arith.constant 0 : i32
        %dma_start3A_80 = tpu.memref_slice %arg10[%dma_start3A_79] : memref<336xi32, #tpu.memory_space<vmem>> -> memref<320xi32, #tpu.memory_space<vmem>>
        tpu.enqueue_dma source(%dma_start3A_80 : memref<320xi32, #tpu.memory_space<vmem>>) target(%dma_start3A_78 : memref<320xi32, #tpu.memory_space<hbm>>) target_semaphore(%run_scoped3A : memref<!tpu.dma_semaphore, #tpu.memory_space<semaphore_mem>>)
        %dma_wait3A = arith.constant 0 : i32
        %dma_wait3A_81 = tpu.memref_slice %arg10[%dma_wait3A] : memref<336xi32, #tpu.memory_space<vmem>> -> memref<320xi32, #tpu.memory_space<vmem>>
        %dma_wait3A_82 = tpu.memref_slice %arg6[%multiple_of3A] : memref<10000xi32, #tpu.memory_space<hbm>> -> memref<320xi32, #tpu.memory_space<hbm>>
        %dma_wait3A_83 = tpu.memref_slice %arg6[%multiple_of3A] : memref<10000xi32, #tpu.memory_space<hbm>> -> memref<320xi32, #tpu.memory_space<hbm>>
        %dma_wait3A_84 = arith.constant 0 : i32
        %dma_wait3A_85 = tpu.memref_slice %arg10[%dma_wait3A_84] : memref<336xi32, #tpu.memory_space<vmem>> -> memref<320xi32, #tpu.memory_space<vmem>>
        tpu.wait_dma2 semaphore(%run_scoped3A : memref<!tpu.dma_semaphore, #tpu.memory_space<semaphore_mem>>) src(%dma_wait3A_85 : memref<320xi32, #tpu.memory_space<vmem>>) dst(%dma_wait3A_83 : memref<320xi32, #tpu.memory_space<hbm>>)
        tpu.yield
      }) : () -> ()
    } else {
    }
    %eq3A = arith.constant 31 : i32
    %eq3A_72 = arith.cmpi eq, %add3A, %eq3A : i32
    %convert_element_type3A_73 = arith.extui %eq3A_72 : i1 to i32
    %cond3A_74 = arith.constant 0 : i32
    %cond3A_75 = arith.cmpi ne, %convert_element_type3A_73, %cond3A_74 : i32
    scf.if %cond3A_75 {
      "tpu.region"() ({
        %run_scoped3A = tpu.sem_alloc : memref<!tpu.dma_semaphore, #tpu.memory_space<semaphore_mem>>
        %dma_start3A = arith.constant 0 : i32
        %dma_start3A_76 = arith.constant 0 : i32
        %dma_start3A_77 = tpu.memref_slice %arg11[%dma_start3A, %dma_start3A_76] : memref<320x128xf32, #tpu.memory_space<vmem>> -> memref<80x128xf32, #tpu.memory_space<vmem>>
        %dma_start3A_78 = arith.constant 0 : i32
        %dma_start3A_79 = tpu.memref_slice %arg5[%multiple_of3A, %dma_start3A_78] : memref<10000x128xf32, #tpu.memory_space<hbm>> -> memref<80x128xf32, #tpu.memory_space<hbm>>
        %dma_start3A_80 = arith.constant 0 : i32
        %dma_start3A_81 = tpu.memref_slice %arg5[%multiple_of3A, %dma_start3A_80] : memref<10000x128xf32, #tpu.memory_space<hbm>> -> memref<80x128xf32, #tpu.memory_space<hbm>>
        %dma_start3A_82 = arith.constant 0 : i32
        %dma_start3A_83 = arith.constant 0 : i32
        %dma_start3A_84 = tpu.memref_slice %arg11[%dma_start3A_82, %dma_start3A_83] : memref<320x128xf32, #tpu.memory_space<vmem>> -> memref<80x128xf32, #tpu.memory_space<vmem>>
        tpu.enqueue_dma source(%dma_start3A_84 : memref<80x128xf32, #tpu.memory_space<vmem>>) target(%dma_start3A_81 : memref<80x128xf32, #tpu.memory_space<hbm>>) target_semaphore(%run_scoped3A : memref<!tpu.dma_semaphore, #tpu.memory_space<semaphore_mem>>)
        %dma_wait3A = arith.constant 0 : i32
        %dma_wait3A_85 = arith.constant 0 : i32
        %dma_wait3A_86 = tpu.memref_slice %arg11[%dma_wait3A, %dma_wait3A_85] : memref<320x128xf32, #tpu.memory_space<vmem>> -> memref<80x128xf32, #tpu.memory_space<vmem>>
        %dma_wait3A_87 = arith.constant 0 : i32
        %dma_wait3A_88 = tpu.memref_slice %arg5[%multiple_of3A, %dma_wait3A_87] : memref<10000x128xf32, #tpu.memory_space<hbm>> -> memref<80x128xf32, #tpu.memory_space<hbm>>
        %dma_wait3A_89 = arith.constant 0 : i32
        %dma_wait3A_90 = tpu.memref_slice %arg5[%multiple_of3A, %dma_wait3A_89] : memref<10000x128xf32, #tpu.memory_space<hbm>> -> memref<80x128xf32, #tpu.memory_space<hbm>>
        %dma_wait3A_91 = arith.constant 0 : i32
        %dma_wait3A_92 = arith.constant 0 : i32
        %dma_wait3A_93 = tpu.memref_slice %arg11[%dma_wait3A_91, %dma_wait3A_92] : memref<320x128xf32, #tpu.memory_space<vmem>> -> memref<80x128xf32, #tpu.memory_space<vmem>>
        tpu.wait_dma2 semaphore(%run_scoped3A : memref<!tpu.dma_semaphore, #tpu.memory_space<semaphore_mem>>) src(%dma_wait3A_93 : memref<80x128xf32, #tpu.memory_space<vmem>>) dst(%dma_wait3A_90 : memref<80x128xf32, #tpu.memory_space<hbm>>)
        tpu.yield
      }) : () -> ()
      "tpu.region"() ({
        %run_scoped3A = tpu.sem_alloc : memref<!tpu.dma_semaphore, #tpu.memory_space<semaphore_mem>>
        %dma_start3A = arith.constant 0 : i32
        %dma_start3A_76 = tpu.memref_slice %arg10[%dma_start3A] : memref<336xi32, #tpu.memory_space<vmem>> -> memref<80xi32, #tpu.memory_space<vmem>>
        %dma_start3A_77 = tpu.memref_slice %arg6[%multiple_of3A] : memref<10000xi32, #tpu.memory_space<hbm>> -> memref<80xi32, #tpu.memory_space<hbm>>
        %dma_start3A_78 = tpu.memref_slice %arg6[%multiple_of3A] : memref<10000xi32, #tpu.memory_space<hbm>> -> memref<80xi32, #tpu.memory_space<hbm>>
        %dma_start3A_79 = arith.constant 0 : i32
        %dma_start3A_80 = tpu.memref_slice %arg10[%dma_start3A_79] : memref<336xi32, #tpu.memory_space<vmem>> -> memref<80xi32, #tpu.memory_space<vmem>>
        tpu.enqueue_dma source(%dma_start3A_80 : memref<80xi32, #tpu.memory_space<vmem>>) target(%dma_start3A_78 : memref<80xi32, #tpu.memory_space<hbm>>) target_semaphore(%run_scoped3A : memref<!tpu.dma_semaphore, #tpu.memory_space<semaphore_mem>>)
        %dma_wait3A = arith.constant 0 : i32
        %dma_wait3A_81 = tpu.memref_slice %arg10[%dma_wait3A] : memref<336xi32, #tpu.memory_space<vmem>> -> memref<80xi32, #tpu.memory_space<vmem>>
        %dma_wait3A_82 = tpu.memref_slice %arg6[%multiple_of3A] : memref<10000xi32, #tpu.memory_space<hbm>> -> memref<80xi32, #tpu.memory_space<hbm>>
        %dma_wait3A_83 = tpu.memref_slice %arg6[%multiple_of3A] : memref<10000xi32, #tpu.memory_space<hbm>> -> memref<80xi32, #tpu.memory_space<hbm>>
        %dma_wait3A_84 = arith.constant 0 : i32
        %dma_wait3A_85 = tpu.memref_slice %arg10[%dma_wait3A_84] : memref<336xi32, #tpu.memory_space<vmem>> -> memref<80xi32, #tpu.memory_space<vmem>>
        tpu.wait_dma2 semaphore(%run_scoped3A : memref<!tpu.dma_semaphore, #tpu.memory_space<semaphore_mem>>) src(%dma_wait3A_85 : memref<80xi32, #tpu.memory_space<vmem>>) dst(%dma_wait3A_83 : memref<80xi32, #tpu.memory_space<hbm>>)
        tpu.yield
      }) : () -> ()
    } else {
    }
    "tpu.trace_stop"() : () -> ()
    return
  }
}

</mosaic_0001>

<sc_bundles>
// kernel: kernel.3.cloned.1.call-start
scs
__scs_entry_jumppad:
0x0: {  	(pc) =	sbr.rel $0x88, $3  }
0x1: {  	(tag) =	ssettag $0x0;
	lr =	simm.s32 $0x1  }
0x2: {  	[smem:$0x3F9E] =	sst lr;
	_ =	strace $0xD0000000  }
0x3: {  	_ = 	snop  }
0x4: {  	_ = 	snop  }
0x5: {  	_ = 	snop  }
0x6: {  	_ = 	snop  }
0x7: {  	_ = 	snop  }
__scs_overlays_trampoline_lowered:
0x8: {  	[smem:$0x3FAD] =	sst s0  }
0x9: {  	[smem:$0x3FAE] =	sst s1  }
0xa: {  	[smem:$0x3FAF] =	sst s2  }
0xb: {  	[smem:$0x3FB0] =	sst s3  }
0xc: {  	[smem:$0x3FB1] =	sst s4  }
0xd: {  	[smem:$0x3FB2] =	sst s5  }
0xe: {  	[smem:$0x3FB3] =	sst s6  }
0xf: {  	[smem:$0x3FB4] =	sst s7  }
0x10: {  	[smem:$0x3FB5] =	sst s8  }
0x11: {  	[smem:$0x3FB6] =	sst s9;
	s0 =	simm.s32 @!p0 $0x0  }
0x12: {  	s1 =	sld [smem:$0x3F9C];
	s0 =	simm.s32 @p0 $0x1  }
0x13: {  	[smem:$0x3FB7] =	sst s0;
	s0 =	simm.s32 @!p1 $0x0  }
0x14: {  	s2 =	sld [smem:$0x3F9B];
	s0 =	simm.s32 @p1 $0x1  }
0x15: {  	[smem:$0x3FB8] =	sst s0;
	s0 =	simm.s32 @!p2 $0x0  }
0x16: {  	s3 =	sld [smem:$0x3FDB];
	s0 =	simm.s32 @p2 $0x1  }
0x17: {  	s4 =	simm.s32 $0x1BF5;
	[smem:$0x3FBA] =	sst s0  }
0x18: {  	s0 =	sld [smem:$0x3F9D];
	_ =	swait.ge [sflag:s4], $0x0  }
0x19: {  	s7 =	sld [smem:$0x3F9E]  }
0x1a: {  	s8 =	sadd.s32 $0xFFFFE003, lr  }
0x1b: {  	s9 =	sadd.s32 $0xFFFFFEF7, lr;
	s5 =	simm.s32 $0xFFFFFFFF;
	p2 =	slt.u32 s8, $0xFFFFF086  }
0x1c: {  	p1 =	slt.u32 s9, $0xF7A;
	s5 =	simm.s32 @!p2 $0x0  }
0x1d: {  	s5 =	simm.s32 @p1 $0x1;
	p0 =	seq.s32 s7, s2  }
0x1e: {  	s7 =	smul.u32 @!p0 $0xF7A, s2;
	p2 =	seq.s32 @!p0 s5, $0x0  }
0x1f: {  	s9 =	smul.u32 $0xF7A, s1;
	s8 =	simm.s32 @!p0 $0x1BF5;
	p2 =	por !p2, p0  }
0x20: {  	[sflag:s8] =	ssyncset.s32 @!p0 $0xFFFFF086;
	s6 =	sadd.s32 @!p0 s3, s7;
	s7 =	simm.s32 @!p0 $0x108  }
0x21: {  	s3 =	sadd.s32 s3, s9;
	s6 =	sadd.s32 @!p0 $0x88, s6;
	s7 =	simm.s32 @p2 $0x1082  }
0x22: {  	[simem:s7], [sflag:s8] =	dma.local @!p0 [hbm:s6], $0xF7A  }
0x23: {  	s9 =	sor.u32 $0xD0000000, s2;
	s6 =	simm.s32 $0x108;
	_ =	swait.ge @!p0 [sflag:s8], $0x0  }
0x24: {  	s3 =	sadd.s32 $0x88, s3;
	s6 =	simm.s32 @!p1 $0x1082;
	[sflag:s4] =	ssyncset.s32 $0xFFFFF086  }
0x25: {  	[simem:s6], [sflag:s4] =	dma.local [hbm:s3], $0xF7A  }
0x26: {  	[smem:$0x3F9E] =	sst s1;
	(tag) =	ssettag s2;
	_ =	strace s9  }
0x27: {  	s1 =	sld [smem:$0x3FAE]  }
0x28: {  	s2 =	sld [smem:$0x3FAF]  }
0x29: {  	s4 =	sld [smem:$0x3FB1]  }
0x2a: {  	p0 =	seq.s32 s5, $0x0;
	s5 =	sld [smem:$0x3FB2]  }
0x2b: {  	s6 =	sld [smem:$0x3FB3]  }
0x2c: {  	s7 =	sld [smem:$0x3FB4]  }
0x2d: {  	s3 =	simm.s32 $0x108;
	s8 =	sld [smem:$0x3FB5]  }
0x2e: {  	s3 =	simm.s32 @!p0 $0x1082;
	s9 =	sld [smem:$0x3FB6]  }
0x2f: {  	lr =	sadd.s32 s0, s3;
	s0 =	sld [smem:$0x3FAD]  }
0x30: {  	s3 =	sld [smem:$0x3FB0]  }
0x31: {  	[smem:$0x3FB9] =	sst s10  }
0x32: {  	s10 =	sld [smem:$0x3FB7];
	_ =	sdelay $0x3  }
0x33: {  	p0 =	seq.s32 s10, $0x1;
	s10 =	sld [smem:$0x3FB9];
	_ =	sdelay $0x3  }
0x34: {  	[smem:$0x3FB9] =	sst s10  }
0x35: {  	s10 =	sld [smem:$0x3FB8];
	_ =	sdelay $0x3  }
0x36: {  	p1 =	seq.s32 s10, $0x1;
	s10 =	sld [smem:$0x3FB9];
	_ =	sdelay $0x3  }
0x37: {  	[smem:$0x3FB9] =	sst s10  }
0x38: {  	s10 =	sld [smem:$0x3FBA]  }
0x39: {  	_ = 	snop;
	(pc) =	sbr.ind lr, $3  }
0x3a: {  	_ = 	snop  }
0x3b: {  	_ = 	snop  }
0x3c: {  	p2 =	seq.s32 s10, $0x1;
	s10 =	sld [smem:$0x3FB9]  }
0x3d: {  	_ =	shalt  }
0x3e: {  	_ =	shalt  }
0x3f: {  	_ =	shalt  }
0x40: {  	_ =	shalt  }
0x41: {  	_ =	shalt  }
0x42: {  	_ =	shalt  }
0x43: {  	_ =	shalt  }
0x44: {  	_ =	shalt  }
0x45: {  	_ =	shalt  }
0x46: {  	_ =	shalt  }
0x47: {  	_ =	shalt  }
0x48: {  	_ =	shalt  }
0x49: {  	_ =	shalt  }
0x4a: {  	_ =	shalt  }
0x4b: {  	_ =	shalt  }
0x4c: {  	_ =	shalt  }
0x4d: {  	_ =	shalt  }
0x4e: {  	_ =	shalt  }
0x4f: {  	_ =	shalt  }
0x50: {  	_ =	shalt  }
0x51: {  	_ =	shalt  }
0x52: {  	_ =	shalt  }
0x53: {  	_ =	shalt  }
0x54: {  	_ =	shalt  }
0x55: {  	_ =	shalt  }
0x56: {  	_ =	shalt  }
0x57: {  	_ =	shalt  }
0x58: {  	_ =	shalt  }
0x59: {  	_ =	shalt  }
0x5a: {  	_ =	shalt  }
0x5b: {  	_ =	shalt  }
0x5c: {  	_ =	shalt  }
0x5d: {  	_ =	shalt  }
0x5e: {  	_ =	shalt  }
0x5f: {  	_ =	shalt  }
0x60: {  	_ =	shalt  }
0x61: {  	_ =	shalt  }
0x62: {  	_ =	shalt  }
0x63: {  	_ =	shalt  }
0x64: {  	_ =	shalt  }
0x65: {  	_ =	shalt  }
0x66: {  	_ =	shalt  }
0x67: {  	_ =	shalt  }
0x68: {  	_ =	shalt  }
0x69: {  	_ =	shalt  }
0x6a: {  	_ =	shalt  }
0x6b: {  	_ =	shalt  }
0x6c: {  	_ =	shalt  }
0x6d: {  	_ =	shalt  }
0x6e: {  	_ =	shalt  }
0x6f: {  	_ =	shalt  }
0x70: {  	_ =	shalt  }
0x71: {  	_ =	shalt  }
0x72: {  	_ =	shalt  }
0x73: {  	_ =	shalt  }
0x74: {  	_ =	shalt  }
0x75: {  	_ =	shalt  }
0x76: {  	_ =	shalt  }
0x77: {  	_ =	shalt  }
0x78: {  	_ =	shalt  }
0x79: {  	_ =	shalt  }
0x7a: {  	_ =	shalt  }
0x7b: {  	_ =	shalt  }
0x7c: {  	_ =	shalt  }
0x7d: {  	_ =	shalt  }
0x7e: {  	_ =	shalt  }
0x7f: {  	_ =	shalt  }
0x80: {  	_ =	shalt  }
0x81: {  	_ =	shalt  }
0x82: {  	_ =	shalt  }
0x83: {  	_ =	shalt  }
0x84: {  	_ =	shalt  }
0x85: {  	_ =	shalt  }
0x86: {  	_ =	shalt  }
0x87: {  	_ =	shalt  }
.Lfunc_end0:
.L_simem_size_0:
called_computation_lowered:
.L_overlay_start_0:
0x88: {  	s2 =	sld [smem:$0x3FD9]  }
0x89: {  	s3 =	sld [smem:$0x3FFE];
	_ =	sdelay $0x1  }
0x8a: {  	s1 =	srdreg.scid  }
0x8b: {  	s0 =	sand.u32 $0x1, s1  }
0x8c: {  	s14 =	sshll.u32 s0, $0xA;
	s2 =	sadd.s32 s3, s2  }
0x8d: {  	s2 =	sadd.s32 s2, s14  }
0x8e: {  	[smem:$0x3FC5] =	sst s2  }
0x8f: {  	_ = 	snop  }
0x90: {  	s2 =	sld [smem:$0x3FD0];
	_ =	sdelay $0x1  }
0x91: {  	s15 =	sld [smem:$0x3FC9]  }
0x92: {  	s5 =	simm.s32 $0xA;
	s6 =	simm.s32 $0x10;
	s4 =	sld [smem:$0x3FC8]  }
0x93: {  	[smem:s6], [sflag:s5] =	dma.local [hbm:s2], $0x1  }
0x94: {  	_ =	swait.eq [sflag:s5], $0x1  }
0x95: {  	[sflag:s5] =	ssyncset.done $0x0  }
0x96: {  	[sflag:s5] =	ssyncadd.s32 $0xFFFFFFFF  }
0x97: {  	s16 =	sld [smem:$0x10];
	(tm) =	ssettm $0x1  }
0x98: {  	s17 =	sld [smem:$0x3FFB];
	_ =	sdelay $0x3  }
0x99: {  	_ =	strace s17  }
0x9a: {  	s5 =	sld [smem:$0x3FFC];
	_ =	sdelay $0x3  }
0x9b: {  	_ =	strace s5  }
0x9c: {  	s5 =	sld [smem:$0x3FFD];
	_ =	sdelay $0x3  }
0x9d: {  	_ =	strace s5  }
0x9e: {  	_ =	strace $0x8FFFFFFF  }
0x9f: {  	s18 =	sld [smem:$0x3FDB];
	_ =	sdelay $0x1  }
0xa0: {  	s19 =	simm.s32 $_scs_section_size  }
0xa1: {  	s7 =	simm.s32 $_size__tile_overlayer_lowered;
	s8 =	simm.s32 $_tile_overlayer_lowered  }
0xa2: {  	s22 =	simm.s32 $0x1BFF;
	s21 =	sshll.u32 s8, $0x1;
	s5 =	sadd.s32 s19, s18  }
0xa3: {  	s9 =	simm.s32 $0x0;
	s20 =	sshll.u32 s7, $0x1;
	s7 =	sadd.s32 s21, s5  }
0xa4: {  	[timem:s9], [sflag:s22] =	dma.local [hbm:s7], s20  }
0xa5: {  	_ =	swait.ge [sflag:s22], s20  }
0xa6: {  	s6 =	ssub.s32 $0x0, s20;
	[sflag:s22] =	ssyncset.done $0x0  }
0xa7: {  	[sflag:s22] =	ssyncadd.s32 s6;
	_ =	sdelay $0x1  }
0xa8: {  	s23 =	simm.s32 $0x1B8B  }
0xa9: {  	_ =	swait.ge [sflag:s23], $0x1  }
0xaa: {  	[sflag:s23] =	ssyncset.done $0x0  }
0xab: {  	s25 =	simm.s32 $0x1B8E;
	s24 =	sld [smem:$0x3FFE];
	[sflag:s23] =	ssyncadd.s32 $0xFFFFFFFF  }
0xac: {  	s26 =	simm.s32 $execute0_lowered;
	[smem:$0x3FD2] =	sst s25  }
0xad: {  	s7 =	sshll.u32 s26, $0x1;
	_ =	strace $0x80000046;
	[dreg:$0x1] =	wrdreg $0xFFFFFFFF  }
0xae: {  	s28 =	simm.s32 $_size_execute0_lowered;
	s5 =	sadd.s32 s5, s7;
	[dreg:$0x0] =	wrdreg $0x0  }
0xaf: {  	s7 =	sshll.u32 s28, $0x1;
	[dreg:$0x2] =	wrdreg s5  }
0xb0: {  	[dreg:$0x3] =	wrdreg s7  }
0xb1: {  	[dreg:$0x4] =	wrdreg $0xC0  }
0xb2: {  	_ =	task [dreg:s9], $0x5FFFF  }
0xb3: {  	[dreg:$0x1] =	wrdreg $0xFFFFFFFF  }
0xb4: {  	[dreg:$0x0] =	wrdreg $0x60  }
0xb5: {  	[dreg:$0x2] =	wrdreg s15  }
0xb6: {  	[dreg:$0x3] =	wrdreg s4  }
0xb7: {  	[dreg:$0x4] =	wrdreg s24  }
0xb8: {  	[dreg:$0x5] =	wrdreg s16  }
0xb9: {  	[dreg:$0x6] =	wrdreg $0x9  }
0xba: {  	_ =	task.clear_ibuf [dreg:s9], $0x7FFFF;
	_ =	strace $0x90000046  }
0xbb: {  	s29 =	simm.s32 $0x9;
	_ =	strace $0x8000004C  }
0xbc: {  	_ =	swait.ge [sflag:s29], $0x1  }
0xbd: {  	[sflag:s29] =	ssyncadd.s32 $0xFFFFFFFF  }
0xbe: {  	_ =	strace $0x9000004C  }
0xbf: {  	_ =	sfence  }
0xc0: {  	s30 =	sld [smem:$0x0];
	_ =	sdelay $0x2  }
0xc1: {  	s31 =	sshll.u32 s1, $0xD;
	s1 =	sshrl.u32 s1, $0x2  }
0xc2: {  	s3 =	sand.u32 $0x4000, s31;
	s1 =	sadd.s32 s1, s30  }
0xc3: {  	s0 =	sor.u32 s3, s0;
	s1 =	sshll.u32 s1, $0x11  }
0xc4: {  	s0 =	sor.u32 s1, s0  }
0xc5: {  	s0 =	sadd.s32 $0x8F2B, s0  }
0xc6: {  	[sflag:s0] =	ssyncadd.remote.s32 $0x1  }
0xc7: {  	_ =	sfence.sel $0xFFFF  }
0xc8: {  	[dreg:$0x0] =	wrdreg $0xFFFFFFFF;
	(pc) =	sbr.abs _section_cstart, $3  }
0xc9: {  	[dreg:$0x1] =	wrdreg $0xFFFFFFFF  }
0xca: {  	_ =	task.clear_ibuf [dreg:s9], $0x2FFFF;
	_ =	strace $0x9FFFFFFF  }
0xcb: {  	(tm) =	ssettm $0x7FFFFFFF  }
tec
execute0_lowered:
.L_overlay_start_1:
0x0: {  	(tag) =	ssettag $0x1  }
0x1: {  	s1 =	rddreg [dreg:$0x0]  }
0x2: {  	s2 =	rddreg [dreg:$0x1]  }
0x3: {  	s5 =	rddreg [dreg:$0x2];
	s3 =	srdreg.scid  }
0x4: {  	s0 =	stileid.u32;
	s8 =	rddreg [dreg:$0x3]  }
0x5: {  	s11 =	simm.s32 $0x2;
	s6 =	sand.u32 $0x1, s3;
	s4 =	sshll.u32 s0, $0x1  }
0x6: {  	s12 =	simm.s32 $0x1;
	s13 =	simm.s32 $0x80;
	s15 =	sor.u32 s6, s4  }
0x7: {  	s14 =	simm.s32 $0x400;
	s4 =	simm.s32 $0x0;
	s7 =	smul.u32 $0x28, s15  }
0x8: {  	s6 =	ssub.s32 $0x2, s6;
	[smem:$0x7FF] =	sst s4;
	s10 =	smul.u32 $0x1400, s15  }
.Ltmp0:
0x9: {  	s9 =	sshrl.u32 s6, $0x1;
	p0 =	seq.s32 s15, $0x1F;
	(pc) =	sbr.rel .LBB2_1-.Ltmp0, $4  }
0xa: {  	s15 =	simm.s32 $0x0;
	_ =	strace $0x80000047;
	s9 =	ssub.s32 s6, s9  }
0xb: {  	s0 =	simm.s32 @!p0 $0x0;
	s7 =	sadd.s32 s7, s5;
	s6 =	sadd.s32 s8, s10  }
0xc: {  	s8 =	sadd.s32 $0x26C00, s8;
	s9 =	smax.u32 s9, $0x1;
	s0 =	simm.s32 @p0 $0x1  }
0xd: {  	v0 =	vimm.s32 $0x0;
	v1 =	vlaneseq.u32;
	s5 =	sadd.s32 $0x800, s7;
	s7 =	sadd.s32 $0xE00, s7;
	[smem:$0x7FD] =	sst s0  }
.LBB2_35:
0xe: {  	_ =	strace $0x9000004A  }
0xf: {  	_ =	strace $0x8000004B  }
0x10: {  	s0 =	sld [smem:$0x7FD];
	_ =	sdelay $0x2  }
0x11: {  	p0 =	seq.s32 s0, $0x1  }
0x12: {  	s0 =	simm.s32 @p0 $0x0;
	s3 =	simm.s32 @p0 $0x23E0  }
0x13: {  	[hbm4b:s8+s0] =	stream.linear.scatter @p0 [tilespmem:s3], [sflag:$0x2], $0x2800, $0x200038;
	[tilespmem:$0xC3E0] =	vst v63  }
0x14: {  	s3 =	simm.s32 @p0 $0x2  }
0x15: {  	_ =	swait.ge @p0 [sflag:s3], $0x2800  }
0x16: {  	[sflag:s3] =	ssyncset.done @p0 $0x0  }
0x17: {  	s10 =	simm.s32 @p0 $0x2290;
	[sflag:s3] =	ssyncadd.s32 @p0 $0xFFFFD800  }
0x18: {  	[hbm4b:s7+s0] =	stream.linear.scatter @p0 [tilespmem:s10], [sflag:$0x2], $0x50, $0x200038;
	[tilespmem:$0xC3E0] =	vst v63  }
0x19: {  	_ =	swait.ge @p0 [sflag:s3], $0x50  }
0x1a: {  	[sflag:s3] =	ssyncset.done @p0 $0x0  }
0x1b: {  	s0 =	simm.s32 @!p0 $0x0;
	[sflag:s3] =	ssyncadd.s32 @p0 $0xFFFFFFB0;
	s3 =	simm.s32 @!p0 $0x23E0  }
0x1c: {  	[hbm4b:s6+s0] =	stream.linear.scatter @!p0 [tilespmem:s3], [sflag:$0x2], $0xA000, $0x200038;
	[tilespmem:$0xC3E0] =	vst v63  }
0x1d: {  	s3 =	simm.s32 @!p0 $0x2  }
0x1e: {  	_ =	swait.ge @!p0 [sflag:s3], $0xA000  }
0x1f: {  	[sflag:s3] =	ssyncset.done @!p0 $0x0  }
0x20: {  	s10 =	simm.s32 @!p0 $0x2290;
	[sflag:s3] =	ssyncadd.s32 @!p0 $0xFFFF6000  }
0x21: {  	[hbm4b:s7+s0] =	stream.linear.scatter @!p0 [tilespmem:s10], [sflag:$0x2], $0x140, $0x200038;
	[tilespmem:$0xC3E0] =	vst v63  }
0x22: {  	_ =	swait.ge @!p0 [sflag:s3], $0x140  }
0x23: {  	s15 =	sadd.s32 $0x1, s15;
	[sflag:s3] =	ssyncset.done @!p0 $0x0  }
0x24: {  	[sflag:s3] =	ssyncadd.s32 @!p0 $0xFFFFFEC0;
	p0 =	sne.s32 s15, s9  }
.Ltmp1:
0x25: {  	_ = 	snop;
	(pc) =	sbr.rel @!p0 .LBB2_36-.Ltmp1, $2  }
0x26: {  	_ =	sdelay $0x2  }
0x27: {  	_ =	strace $0x9000004B  }
.LBB2_1:
0x28: {  	s0 =	simm.s32 $0x2000  }
0x29: {  	[tilespmem:s0], [sflag:$0x2] =	stream.linear.gather [hbm4b:s5+s4], $0x150, $0x38;
	[tilespmem:$0xC3E0] =	vst v63  }
0x2a: {  	_ =	swait.ge [sflag:s11], $0x150  }
0x2b: {  	[sflag:s11] =	ssyncset.done $0x0  }
0x2c: {  	[sflag:s11] =	ssyncadd.s32 $0xFFFFFEB0  }
0x2d: {  	v2 =	vld [tilespmem:$0x2000];
	_ =	sdelay $0x4  }
0x2e: {  	(v2sf) =	vpush v2, $0x0;
	_ =	sdelay $0xe  }
0x2f: {  	s16 =	spop (v2sf)  }
0x30: {  	p1 =	slt.s32 s16, $0x4C200  }
0x31: {  	p2 =	slt.s32 s16, $0x1;
	s16 =	simm.s32 @!p1 $0x4C200  }
0x32: {  	s17 =	sand.u32 $0x7F, s16  }
0x33: {  	s30 =	sshra.s32 s16, $0x1F;
	p6 =	sne.s32 s17, $0x0  }
0x34: {  	s17 =	sshrl.u32 s30, $0x19;
	p1 =	por !p2, !p6  }
0x35: {  	s16 =	sadd.s32 s17, s16;
	s17 =	simm.s32 $0x1;
	p1 =	por !p1, !p1  }
0x36: {  	s16 =	sshrl.u32 s16, $0x7;
	s17 =	simm.s32 @!p1 $0x0  }
0x37: {  	s16 =	ssub.s32 s16, s17  }
0x38: {  	s16 =	sshll.u32 s16, $0x7  }
0x39: {  	s31 =	sand.u32 $0x1FFFFF80, s16  }
0x3a: {  	s17 =	sadd.s32 s2, s31  }
0x3b: {  	[tilespmem:s4], [sflag:$0x2] =	stream.strided.gather [hbm4b:s17+s13], $0x2000, s14, s13, $0x38;
	[tilespmem:$0xC3E0] =	vst v63  }
.Ltmp2:
0x3c: {  	_ = 	snop;
	(pc) =	sbr.rel .LBB2_2-.Ltmp2, $4  }
0x3d: {  	_ =	swait.ge [sflag:s11], $0x2000  }
0x3e: {  	[sflag:s11] =	ssyncset.done $0x0  }
0x3f: {  	[sflag:s11] =	ssyncadd.s32 $0xFFFFE000  }
0x40: {  	s17 =	simm.s32 $0x0;
	_ =	strace $0x80000048  }
.LBB2_7:
0x41: {  	v3 =	vimm.s32 $0x4E200  }
.LBB2_15:
0x42: {  	vm0 =	vgt.s32 v3, $0x4E1FF;
	vm1 =	vgt.s32 v2, $0x0  }
0x43: {  	v3 =	vsel vm0, $0x0, v3;
	v2 =	vsel vm1, $0x1, v0  }
.LBB2_26:
0x44: {  	v4 =	vshll.u32 v3, $0x4  }
0x45: {  	(v2sf) =	vpush v4, $0x0;
	_ =	sdelay $0x1  }
0x46: {  	(v2sf) =	vpush v4, $0x1;
	_ =	sdelay $0x1  }
0x47: {  	(v2sf) =	vpush v4, $0x2;
	_ =	sdelay $0x2  }
0x48: {  	(v2sf) =	vpush v4, $0x3;
	_ =	sdelay $0x7  }
0x49: {  	s3 =	spop (v2sf);
	(v2sf) =	vpush v4, $0x4;
	_ =	sdelay $0x1  }
0x4a: {  	s30 =	spop (v2sf);
	(v2sf) =	vpush v4, $0x5;
	_ =	sdelay $0x1  }
0x4b: {  	s28 =	sand.u32 $0x1FFFFFF0, s3;
	s3 =	spop (v2sf);
	(v2sf) =	vpush v4, $0x6  }
0x4c: {  	s0 =	sshll.u32 s17, $0xB  }
0x4d: {  	[tilespmem:s18+$0x2150] =	vst v3;
	s19 =	sand.u32 $0x3FFFF800, s0  }
0x4e: {  	[tilespmem:s18+$0x2290] =	vst v2;
	s29 =	sadd.s32 $0x23E0, s19;
	s0 =	sadd.s32 s1, s28;
	s18 =	spop (v2sf);
	(v2sf) =	vpush v4, $0x7  }
0x4f: {  	[tilespmem:s29], [sflag:$0x1] =	stream.linear.gather [hbm4b:s0+s4], $0x80, $0x200038;
	[tilespmem:$0xC3E0] =	vst v63  }
0x50: {  	s0 =	sand.u32 $0x1FFFFFF0, s30  }
0x51: {  	s31 =	sadd.s32 $0x2460, s19;
	s0 =	sadd.s32 s1, s0  }
0x52: {  	[tilespmem:s31], [sflag:$0x1] =	stream.linear.gather [hbm4b:s0+s4], $0x80, $0x200038;
	[tilespmem:$0xC3E0] =	vst v63  }
0x53: {  	s0 =	sand.u32 $0x1FFFFFF0, s3  }
0x54: {  	s10 =	sadd.s32 $0x24E0, s19;
	s0 =	sadd.s32 s1, s0  }
0x55: {  	[tilespmem:s10], [sflag:$0x1] =	stream.linear.gather [hbm4b:s0+s4], $0x80, $0x200038;
	[tilespmem:$0xC3E0] =	vst v63  }
0x56: {  	s21 =	spop (v2sf);
	(v2sf) =	vpush v4, $0x8  }
0x57: {  	s0 =	sand.u32 $0x1FFFFFF0, s18  }
0x58: {  	s20 =	sadd.s32 $0x2560, s19;
	s0 =	sadd.s32 s1, s0;
	s23 =	spop (v2sf);
	(v2sf) =	vpush v4, $0x9  }
0x59: {  	[tilespmem:s20], [sflag:$0x1] =	stream.linear.gather [hbm4b:s0+s4], $0x80, $0x200038;
	[tilespmem:$0xC3E0] =	vst v63  }
0x5a: {  	s0 =	sand.u32 $0x1FFFFFF0, s21;
	s25 =	spop (v2sf);
	(v2sf) =	vpush v4, $0xA  }
0x5b: {  	s22 =	sadd.s32 $0x25E0, s19;
	s0 =	sadd.s32 s1, s0  }
0x5c: {  	[tilespmem:s22], [sflag:$0x1] =	stream.linear.gather [hbm4b:s0+s4], $0x80, $0x200038;
	[tilespmem:$0xC3E0] =	vst v63  }
0x5d: {  	s28 =	spop (v2sf);
	(v2sf) =	vpush v4, $0xB  }
0x5e: {  	s0 =	sand.u32 $0x1FFFFFF0, s23  }
0x5f: {  	s24 =	sadd.s32 $0x2660, s19;
	s0 =	sadd.s32 s1, s0  }
0x60: {  	[tilespmem:s24], [sflag:$0x1] =	stream.linear.gather [hbm4b:s0+s4], $0x80, $0x200038;
	[tilespmem:$0xC3E0] =	vst v63  }
0x61: {  	s0 =	sand.u32 $0x1FFFFFF0, s25  }
0x62: {  	s26 =	sadd.s32 $0x26E0, s19;
	s0 =	sadd.s32 s1, s0  }
0x63: {  	[tilespmem:s26], [sflag:$0x1] =	stream.linear.gather [hbm4b:s0+s4], $0x80, $0x200038;
	[tilespmem:$0xC3E0] =	vst v63  }
0x64: {  	s0 =	sand.u32 $0x1FFFFFF0, s28  }
0x65: {  	s29 =	sadd.s32 $0x2760, s19;
	s0 =	sadd.s32 s1, s0;
	s30 =	spop (v2sf);
	(v2sf) =	vpush v4, $0xC  }
0x66: {  	[tilespmem:s29], [sflag:$0x1] =	stream.linear.gather [hbm4b:s0+s4], $0x80, $0x200038;
	[tilespmem:$0xC3E0] =	vst v63  }
0x67: {  	s3 =	spop (v2sf);
	(v2sf) =	vpush v4, $0xD  }
0x68: {  	s0 =	sand.u32 $0x1FFFFFF0, s30  }
0x69: {  	s31 =	sadd.s32 $0x27E0, s19;
	s0 =	sadd.s32 s1, s0;
	s18 =	spop (v2sf)  }
0x6a: {  	(v2sf) =	vpush v4, $0xE;
	[tilespmem:s31], [sflag:$0x1] =	stream.linear.gather [hbm4b:s0+s4], $0x80, $0x200038;
	[tilespmem:$0xC3E0] =	vst v63  }
0x6b: {  	s0 =	sand.u32 $0x1FFFFFF0, s3  }
0x6c: {  	s10 =	sadd.s32 $0x2860, s19;
	s21 =	spop (v2sf);
	s0 =	sadd.s32 s1, s0  }
0x6d: {  	(v2sf) =	vpush v4, $0xF;
	[tilespmem:s10], [sflag:$0x1] =	stream.linear.gather [hbm4b:s0+s4], $0x80, $0x200038;
	[tilespmem:$0xC3E0] =	vst v63  }
0x6e: {  	s0 =	sand.u32 $0x1FFFFFF0, s18  }
0x6f: {  	s20 =	sadd.s32 $0x28E0, s19;
	s0 =	sadd.s32 s1, s0  }
0x70: {  	[tilespmem:s20], [sflag:$0x1] =	stream.linear.gather [hbm4b:s0+s4], $0x80, $0x200038;
	[tilespmem:$0xC3E0] =	vst v63  }
0x71: {  	s0 =	sand.u32 $0x1FFFFFF0, s21  }
0x72: {  	s22 =	sadd.s32 $0x2960, s19;
	s0 =	sadd.s32 s1, s0  }
0x73: {  	[tilespmem:s22], [sflag:$0x1] =	stream.linear.gather [hbm4b:s0+s4], $0x80, $0x200038;
	[tilespmem:$0xC3E0] =	vst v63  }
0x74: {  	s23 =	spop (v2sf)  }
0x75: {  	s0 =	sand.u32 $0x1FFFFFF0, s23  }
0x76: {  	s24 =	sadd.s32 $0x29E0, s19;
	s25 =	spop (v2sf);
	s0 =	sadd.s32 s1, s0  }
0x77: {  	[tilespmem:s24], [sflag:$0x1] =	stream.linear.gather [hbm4b:s0+s4], $0x80, $0x200038;
	[tilespmem:$0xC3E0] =	vst v63  }
0x78: {  	s17 =	sadd.s32 $0x1, s17;
	s0 =	sand.u32 $0x1FFFFFF0, s25  }
0x79: {  	s26 =	sadd.s32 $0x2A60, s19;
	s28 =	spop (v2sf);
	s0 =	sadd.s32 s1, s0  }
0x7a: {  	[tilespmem:s26], [sflag:$0x1] =	stream.linear.gather [hbm4b:s0+s4], $0x80, $0x200038;
	[tilespmem:$0xC3E0] =	vst v63  }
0x7b: {  	p0 =	sne.s32 s17, $0x14;
	s29 =	sadd.s32 $0x2AE0, s19;
	s0 =	sand.u32 $0x1FFFFFF0, s28  }
.Ltmp3:
0x7c: {  	s30 =	spop (v2sf);
	s0 =	sadd.s32 s1, s0;
	(pc) =	sbr.rel @!p0 .LBB2_27-.Ltmp3, $4  }
0x7d: {  	[tilespmem:s29], [sflag:$0x1] =	stream.linear.gather [hbm4b:s0+s4], $0x80, $0x200038;
	[tilespmem:$0xC3E0] =	vst v63  }
0x7e: {  	s0 =	sand.u32 $0x1FFFFFF0, s30  }
0x7f: {  	s31 =	sadd.s32 $0x2B60, s19;
	s0 =	sadd.s32 s1, s0  }
0x80: {  	[tilespmem:s31], [sflag:$0x1] =	stream.linear.gather [hbm4b:s0+s4], $0x80, $0x200038;
	[tilespmem:$0xC3E0] =	vst v63  }
.LBB2_2:
0x81: {  	s18 =	sshll.u32 s17, $0x4  }
0x82: {  	v3 =	vld [tilespmem:s18+$0x2000]  }
0x83: {  	v2 =	vld [tilespmem:s18+$0x2001];
	_ =	sdelay $0x3  }
0x84: {  	(v2sf) =	vpush v3, $0x0  }
0x85: {  	(v2sf) =	vpush v2, $0xF;
	_ =	sdelay $0xd  }
0x86: {  	s19 =	spop (v2sf)  }
0x87: {  	s20 =	spop (v2sf)  }
0x88: {  	s21 =	ssub.s32 s20, s19  }
0x89: {  	p1 =	sgt.s32 s21, $0x1F80  }
.Ltmp4:
0x8a: {  	_ = 	snop;
	(pc) =	sbr.rel @p1 .LBB2_3-.Ltmp4, $1  }
0x8b: {  	_ =	sdelay $0x3  }
0x8c: {  	p1 =	slt.s32 s19, $0x4C200  }
0x8d: {  	p2 =	slt.s32 s19, $0x1;
	s19 =	simm.s32 @!p1 $0x4C200  }
0x8e: {  	s21 =	sand.u32 $0x7F, s19  }
0x8f: {  	s22 =	sshra.s32 s19, $0x1F;
	p6 =	sne.s32 s21, $0x0  }
0x90: {  	s29 =	sshrl.u32 s22, $0x19;
	p1 =	por !p2, !p6  }
0x91: {  	s21 =	simm.s32 $0x1;
	s19 =	sadd.s32 s29, s19;
	p1 =	por !p1, !p1  }
0x92: {  	s19 =	sshrl.u32 s19, $0x7;
	s21 =	simm.s32 @!p1 $0x0  }
0x93: {  	s30 =	sadd.s32 $0x2000, s16;
	s19 =	ssub.s32 s19, s21  }
0x94: {  	p1 =	sle.s32 s20, s30;
	s21 =	sshll.u32 s19, $0x7  }
0x95: {  	s23 =	simm.s32 @!p1 $0x80;
	s19 =	sand.u32 @!p1 $0x1FFFFF80, s21  }
0x96: {  	s24 =	simm.s32 @!p1 $0x400;
	s25 =	simm.s32 @!p1 $0x0;
	s19 =	sadd.s32 @!p1 s2, s19  }
0x97: {  	[tilespmem:s25], [sflag:$0x2] =	stream.strided.gather @!p1 [hbm4b:s19+s23], $0x2000, s24, s23, $0x200038;
	[tilespmem:$0xC3E0] =	vst v63  }
0x98: {  	v2 =	vsub.s32 v2, v3;
	s23 =	simm.s32 @!p1 $0x2  }
0x99: {  	v4 =	vxor.u32 $0x80000000, v2;
	_ =	swait.ge @!p1 [sflag:s23], $0x2000  }
0x9a: {  	(xrf0) =	vmax.scan.msk.u32 $0xffff, v4;
	_ =	sdelay $0x5  }
0x9b: {  	v4, _, _ =	vpop (xrf0)  }
0x9c: {  	(v2sf) =	vpush v4, $0xF;
	_ =	sdelay $0xe  }
0x9d: {  	s31 =	spop (v2sf)  }
0x9e: {  	s19 =	sxor.u32 $0x80000000, s31  }
0x9f: {  	p3 =	slt.s32 s19, $0x1  }
.Ltmp5:
0xa0: {  	_ = 	snop;
	(pc) =	sbr.rel @p3 .LBB2_7-.Ltmp5, $3  }
0xa1: {  	_ =	sdelay $0x1  }
0xa2: {  	p2 =	sgt.s32 s20, s30;
	[sflag:s23] =	ssyncset.done @!p1 $0x0  }
0xa3: {  	s16 =	smov.u32 @p2 s21;
	[sflag:s23] =	ssyncadd.s32 @!p1 $0xFFFFE000  }
0xa4: {  	p2 =	sne.s32 s19, $0x1  }
.Ltmp6:
0xa5: {  	s21 =	simm.s32 $0x0;
	(pc) =	sbr.rel @!p2 .LBB2_9-.Ltmp6, $4  }
0xa6: {  	v7 =	vmov s16;
	v5 =	vadd.s32 s21, v3  }
0xa7: {  	v6 =	vsub.s32 v5, v7  }
0xa8: {  	v4 =	vimm.f32 $-Inf;
	v9 =	vand.u32 $0x7F, v5;
	v8 =	vand.u32 $0xFFFFFF80, v6  }
0xa9: {  	s20 =	simm.s32 $0x1;
	p1 =	por $0x0, $0x0;
	vm2 =	vgt.s32 v2, s21;
	v6 =	vimm.s32 $0x4E200;
	v8 =	vor.u32 v9, v8  }
0xaa: {  	_ = 	snop  }
0xab: {  	p2 =	sne.s32 s19, $0x2  }
.Ltmp7:
0xac: {  	_ = 	snop;
	(pc) =	sbr.rel @!p2 .LBB2_11-.Ltmp7, $4  }
0xad: {  	v9 =	vadd.s32 s20, v3  }
0xae: {  	vm0 =	vmmov vm2;
	v11 =	vsub.s32 v9, v7  }
0xaf: {  	vm1 =	vgt.s32 v2, s20;
	v10 =	vld.idx.msk [tilespmem:v8+s4+$0x0], vm2;
	v8 =	vand.u32 $0xFFFFFF80, v11;
	v11 =	vand.u32 $0x7F, v9  }
0xb0: {  	s20 =	simm.s32 $0x2;
	p1 =	por $0x1, $0x1;
	v12 =	vimm.s32 $0x4E200;
	v8 =	vor.u32 v11, v8;
	v11 =	vimm.f32 $-Inf  }
.LBB2_12:
0xb1: {  	_ = 	snop  }
0xb2: {  	v13 =	vadd.s32 s20, v3;
	s21 =	smov.u32 s20;
	s20 =	sadd.s32 $0x1, s20  }
0xb3: {  	p2 =	sne.s32 s19, s20  }
.Ltmp8:
0xb4: {  	_ = 	snop;
	(pc) =	sbr.rel @p2 .LBB2_12-.Ltmp8, $4  }
0xb5: {  	v15 =	vsub.s32 v13, v7  }
0xb6: {  	v14 =	vnsel vm0, $0xFF800000, v10;
	v10 =	vld.idx.msk [tilespmem:v8+s4+$0x0], vm1;
	v8 =	vand.u32 $0xFFFFFF80, v15;
	v15 =	vand.u32 $0x7F, v13  }
0xb7: {  	vm0 =	vmmov vm1;
	vm2 =	vgt.f32 v14, v11;
	v8 =	vor.u32 v15, v8  }
0xb8: {  	vm1 =	vgt.s32 v2, s21;
	v11 =	vsel vm2, v14, v11;
	v12 =	vsel vm2, v5, v12;
	v5 =	vmovc v9;
	v9 =	vmovc v13  }
0xb9: {  	v3 =	vmov v5;
	vm2 =	vmmov vm1;
	v5 =	vmov v9  }
.LBB2_14:
0xba: {  	_ =	sdelay $0x4  }
0xbb: {  	v7 =	vld.idx.msk [tilespmem:v8+s4+$0x0], vm2;
	_ =	sdelay $0x1  }
0xbc: {  	v8 =	vnsel @p1 vm0, $0xFF800000, v10  }
.Ltmp9:
0xbd: {  	vm0 =	vgt.f32 @p1 v8, v11;
	(pc) =	sbr.rel .LBB2_15-.Ltmp9, $4  }
0xbe: {  	vm1 =	vmmov vm2;
	v8 =	vsel @p1 vm0, v8, v11  }
0xbf: {  	v3 =	vsel @p1 vm0, v3, v12;
	v4 =	vpsel p1, v8, v4;
	v7 =	vnsel vm1, $0xFF800000, v7  }
0xc0: {  	v3 =	vpsel p1, v3, v6;
	vm15 =	vgt.f32 v7, v4  }
0xc1: {  	v3 =	vsel vm15, v5, v3  }
.LBB2_3:
.Ltmp10:
0xc2: {  	(pc) =	sbr.rel .LBB2_4-.Ltmp10, $3  }
0xc3: {  	_ =	sdelay $0x1  }
0xc4: {  	s20 =	sadd.s32 $0x2000, s18  }
0xc5: {  	s19 =	simm.s32 $0x0;
	v2 =	vimm.s32 $0x0;
	v3 =	vimm.s32 $0x0;
	v4 =	vmov s20  }
.LBB2_5:
0xc6: {  	v5 =	vimm.s32 $0x8004E200;
	v6 =	vimm.f32 $-Inf  }
.LBB2_25:
0xc7: {  	(xrf0) =	vmax.scan.msk.f32 $0xffff, v6;
	_ =	sdelay $0x5  }
0xc8: {  	v7, _, _ =	vpop (xrf0)  }
0xc9: {  	v7 =	vbroadcast v7, $0xF;
	_ =	sdelay $0x1  }
0xca: {  	vm0 =	veq.f32 v6, v7  }
0xcb: {  	v5 =	vnsel vm0, $0x8004E200, v5  }
0xcc: {  	(xrf0) =	vmin.scan.msk.u32 $0xffff, v5;
	_ =	sdelay $0x5  }
0xcd: {  	v5, _, _ =	vpop (xrf0)  }
0xce: {  	(v2sf) =	vpush v5, $0xF;
	_ =	sdelay $0xe  }
0xcf: {  	s0 =	spop (v2sf)  }
0xd0: {  	s0 =	sxor.u32 $0x80000000, s0  }
0xd1: {  	v5 =	vmov s19;
	s19 =	sadd.s32 $0x1, s19;
	p0 =	sgt.s32 s0, $0x4E1FF  }
0xd2: {  	s0 =	simm.s32 @p0 $0x0;
	p0 =	sne.s32 s19, $0x10  }
.Ltmp11:
0xd3: {  	_ = 	snop;
	(pc) =	sbr.rel @!p0 .LBB2_26-.Ltmp11, $4  }
0xd4: {  	_ = 	snop  }
0xd5: {  	p1 =	sgt.s32 s21, s20;
	s3 =	simm.s32 $0x1  }
0xd6: {  	s3 =	simm.s32 @!p1 $0x0;
	vm15 =	veq.s32 v5, v1  }
0xd7: {  	v2 =	vsel vm15, s3, v2;
	v3 =	vsel vm15, s0, v3  }
.LBB2_4:
0xd8: {  	_ =	sdelay $0x3  }
0xd9: {  	v6 =	vld.idx.msk [tilespmem:v4+s19+$0x0 ss:$0x1], $0xffff  }
0xda: {  	v5 =	vld.idx.msk [tilespmem:v4+s19+$0x1 ss:$0x1], $0xffff;
	_ =	sdelay $0x3  }
0xdb: {  	(v2sf) =	vpush v6, $0x0  }
0xdc: {  	(v2sf) =	vpush v5, $0x0;
	_ =	sdelay $0xd  }
0xdd: {  	s20 =	spop (v2sf)  }
0xde: {  	s21 =	spop (v2sf)  }
0xdf: {  	s22 =	ssub.s32 s21, s20  }
0xe0: {  	s22 =	sadd.s32 $0xF, s22  }
0xe1: {  	s23 =	sand.u32 $0xF, s22  }
0xe2: {  	s31 =	sshra.s32 s22, $0x1F;
	p2 =	slt.s32 s22, $0x1;
	p1 =	sne.s32 s23, $0x0  }
0xe3: {  	s23 =	sshrl.u32 s31, $0x1C;
	p1 =	por !p2, !p1  }
0xe4: {  	s22 =	sadd.s32 s23, s22;
	s23 =	simm.s32 $0x1;
	p1 =	por !p1, !p1  }
0xe5: {  	s22 =	sshra.s32 s22, $0x4;
	s23 =	simm.s32 @!p1 $0x0  }
0xe6: {  	s22 =	ssub.s32 s22, s23  }
0xe7: {  	p1 =	slt.s32 s22, $0x1  }
.Ltmp12:
0xe8: {  	_ = 	snop;
	(pc) =	sbr.rel @p1 .LBB2_5-.Ltmp12, $1  }
0xe9: {  	_ =	sdelay $0x3  }
0xea: {  	s22 =	sadd.s32 $0xFFFFFFFF, s22  }
0xeb: {  	p3 =	sne.s32 s22, $0x0  }
.Ltmp13:
0xec: {  	_ = 	snop;
	(pc) =	sbr.rel @!p3 .LBB2_17-.Ltmp13, $3  }
0xed: {  	_ =	sdelay $0x1  }
0xee: {  	s23 =	sadd.s32 $0x10, s20;
	s24 =	sadd.s32 $0x2000, s16  }
0xef: {  	v7 =	vbroadcast v5, $0x0;
	v6 =	vimm.f32 $-Inf;
	v5 =	vimm.s32 $0x4E200;
	p1 =	por $0x0, $0x0;
	p2 =	por $0x0, $0x0;
	p4 =	sgt.s32 s23, s24  }
0xf0: {  	p1 =	slt.s32 s20, $0x4C200;
	s24 =	smov.u32 s20  }
0xf1: {  	s24 =	simm.s32 @!p1 $0x4C200  }
0xf2: {  	s25 =	sand.u32 $0x7F, s24  }
0xf3: {  	p0 =	slt.s32 s20, $0x1;
	s26 =	sshra.s32 s24, $0x1F;
	p3 =	sne.s32 s25, $0x0  }
0xf4: {  	s31 =	sshrl.u32 s26, $0x19;
	p1 =	por !p0, !p3  }
0xf5: {  	s25 =	simm.s32 $0x1;
	s24 =	sadd.s32 s31, s24;
	p1 =	por !p1, !p1  }
0xf6: {  	s24 =	sshrl.u32 s24, $0x7;
	s25 =	simm.s32 @!p1 $0x0  }
0xf7: {  	p5 =	slt.s32 s16, $0x4C200;
	s24 =	ssub.s32 s24, s25;
	s25 =	sadd.s32 $0xFFFFFFFF, s22  }
0xf8: {  	p6 =	por !p5, !p4;
	p5 =	sne.s32 s25, $0x0  }
.Ltmp14:
0xf9: {  	p3 =	por !p6, !p6;
	s26 =	sshll.u32 s24, $0x7;
	(pc) =	sbr.rel @!p5 .LBB2_19-.Ltmp14, $4  }
0xfa: {  	s16 =	smov.u32 @p3 s26  }
0xfb: {  	v8 =	vadd.s32 s20, v1;
	p1 =	por $0x1, $0x1;
	v9 =	vmov s16  }
0xfc: {  	s24 =	sadd.s32 $0x10, s23;
	s26 =	sand.u32 @p3 $0x1FFFFF80, s26;
	s28 =	sadd.s32 $0x2000, s16;
	v9 =	vsub.s32 v8, v9  }
0xfd: {  	vm2 =	vlt.s32 v8, v7;
	s22 =	simm.s32 @p3 $0x2;
	p4 =	sgt.s32 s24, s28;
	s28 =	sadd.s32 @p3 s2, s26;
	v10 =	vand.u32 $0xFFFFFF80, v9  }
0xfe: {  	p2 =	slt.s32 s23, $0x4C200;
	s26 =	smov.u32 s23;
	p0 =	slt.s32 s23, $0x1  }
0xff: {  	p6 =	slt.s32 s16, $0x4C200;
	s25 =	sadd.s32 $0xFFFFFFFF, s25;
	s26 =	simm.s32 @!p2 $0x4C200  }
0x100: {  	p6 =	por !p6, !p4;
	s29 =	sand.u32 $0x7F, s26;
	s30 =	sshra.s32 s26, $0x1F  }
0x101: {  	p5 =	sne.s32 s29, $0x0;
	s31 =	sshrl.u32 s30, $0x19;
	s29 =	simm.s32 $0x1  }
0x102: {  	p2 =	por !p0, !p5;
	s26 =	sadd.s32 s31, s26;
	p5 =	por p3, p3  }
0x103: {  	p2 =	por !p2, !p2;
	s26 =	sshrl.u32 s26, $0x7;
	s30 =	simm.s32 @p5 $0x0  }
0x104: {  	v9 =	vadd.s32 s23, v1;
	s31 =	simm.s32 @p5 $0x400;
	s23 =	simm.s32 @p5 $0x80;
	s29 =	simm.s32 @!p2 $0x0  }
0x105: {  	[tilespmem:s30], [sflag:$0x2] =	stream.strided.gather @p5 [hbm4b:s28+s23], $0x2000, s31, s23, $0x200038;
	[tilespmem:$0xC3E0] =	vst v63  }
0x106: {  	p3 =	por !p6, !p6;
	p6 =	sne.s32 s25, $0x0;
	s26 =	ssub.s32 s26, s29  }
.Ltmp15:
0x107: {  	s29 =	sshll.u32 s26, $0x7;
	(pc) =	sbr.rel @!p6 .LBB2_21-.Ltmp15, $4  }
0x108: {  	v11 =	vand.u32 $0x7F, v8;
	s16 =	smov.u32 @p3 s29  }
0x109: {  	vm1 =	vmmov vm2;
	vm0 =	vmmov vm2;
	s23 =	simm.s32 @p3 $0x2;
	v12 =	vmov s16  }
0x10a: {  	v13 =	vor.u32 v11, v10;
	vm3 =	vlt.s32 v9, v7;
	s26 =	sadd.s32 $0x10, s24;
	s29 =	sand.u32 @p3 $0x1FFFFF80, s29;
	s28 =	sadd.s32 $0x2000, s16;
	v10 =	vsub.s32 v9, v12  }
0x10b: {  	v11 =	vimm.f32 $-Inf;
	p2 =	por $0x1, $0x1;
	p4 =	sgt.s32 s26, s28;
	s28 =	sadd.s32 @p3 s2, s29;
	v12 =	vimm.s32 $0x4E200;
	v10 =	vand.u32 $0xFFFFFF80, v10  }
.LBB2_22:
0x10c: {  	s25 =	sadd.s32 $0xFFFFFFFF, s25  }
0x10d: {  	p0 =	slt.s32 s24, $0x4C200;
	s30 =	smov.u32 s28;
	s28 =	smov.u32 s24  }
0x10e: {  	_ =	swait.ge @p5 [sflag:s22], $0x2000;
	s29 =	smov.u32 s26;
	s28 =	simm.s32 @!p0 $0x4C200  }
0x10f: {  	p6 =	sne.s32 s25, $0x0;
	[sflag:s22] =	ssyncset.done @p5 $0x0;
	s31 =	sshra.s32 s28, $0x1F  }
0x110: {  	s3 =	sand.u32 $0x7F, s28;
	[sflag:s22] =	ssyncadd.s32 @p5 $0xFFFFE000;
	s22 =	sshrl.u32 s31, $0x19  }
0x111: {  	p0 =	slt.s32 s24, $0x1;
	p5 =	sne.s32 s3, $0x0;
	v13 =	vld.idx.msk [tilespmem:v13+s4+$0x0], vm1;
	vm1 =	vmmov vm3;
	s3 =	sadd.s32 s22, s28  }
0x112: {  	p0 =	por !p0, !p5;
	s22 =	smov.u32 s23;
	p5 =	por p3, p3  }
0x113: {  	s23 =	simm.s32 $0x1;
	s3 =	sshrl.u32 s3, $0x7;
	p0 =	por !p0, !p0  }
0x114: {  	p3 =	slt.s32 s16, $0x4C200;
	s31 =	simm.s32 @p5 $0x0;
	s23 =	simm.s32 @!p0 $0x0  }
0x115: {  	s0 =	simm.s32 @p5 $0x400;
	p0 =	por !p3, !p4;
	s3 =	ssub.s32 s3, s23  }
.Ltmp16:
0x116: {  	p3 =	por !p0, !p0;
	s3 =	sshll.u32 s3, $0x7;
	(pc) =	sbr.rel @p6 .LBB2_22-.Ltmp16, $4  }
0x117: {  	s26 =	sadd.s32 $0x10, s26;
	v14 =	vadd.s32 s24, v1;
	v15 =	vand.u32 $0x7F, v9;
	s23 =	simm.s32 @p3 $0x2;
	v16 =	vnsel vm0, $0xFF800000, v13;
	s16 =	smov.u32 @p3 s3  }
0x118: {  	s10 =	simm.s32 @p5 $0x80;
	v13 =	vor.u32 v15, v10;
	s3 =	sand.u32 @p3 $0x1FFFFF80, s3;
	vm0 =	vgt.f32 v16, v11;
	s24 =	sadd.s32 $0x2000, s16;
	v17 =	vmov s16  }
0x119: {  	s28 =	sadd.s32 @p3 s2, s3;
	v11 =	vsel vm0, v16, v11;
	v12 =	vsel vm0, v8, v12;
	v8 =	vmovc v9;
	p4 =	sgt.s32 s26, s24;
	v10 =	vsub.s32 v14, v17;
	s24 =	smov.u32 s29  }
0x11a: {  	v9 =	vmovc v14;
	vm0 =	vmmov vm3;
	vm3 =	vlt.s32 v14, v7;
	v10 =	vand.u32 $0xFFFFFF80, v10;
	[tilespmem:s31], [sflag:$0x2] =	stream.strided.gather @p5 [hbm4b:s30+s10], $0x2000, s0, s10, $0x200038;
	[tilespmem:$0xC3E0] =	vst v63  }
0x11b: {  	s25 =	smov.u32 s22;
	s23 =	smov.u32 s24;
	vm2 =	vmmov vm3;
	s22 =	simm.s32 @p3 $0x2  }
.LBB2_24:
0x11c: {  	p0 =	por !p5, !p2  }
0x11d: {  	p5 =	slt.s32 s23, $0x4C200;
	s0 =	smov.u32 s23;
	s3 =	smov.u32 @p1 s28  }
0x11e: {  	p3 =	por @p1 p3, p3;
	_ =	swait.ge @!p0 [sflag:s25], $0x2000;
	s0 =	simm.s32 @!p5 $0x4C200  }
0x11f: {  	p5 =	slt.s32 s23, $0x1;
	s10 =	sshra.s32 s0, $0x1F;
	s24 =	sand.u32 $0x7F, s0  }
0x120: {  	[sflag:s25] =	ssyncset.done @!p0 $0x0;
	s10 =	sshrl.u32 s10, $0x19;
	p6 =	sne.s32 s24, $0x0  }
0x121: {  	[sflag:s25] =	ssyncadd.s32 @!p0 $0xFFFFE000;
	s0 =	sadd.s32 s10, s0;
	p0 =	por !p5, !p6  }
0x122: {  	s10 =	smov.u32 @p1 s22;
	s22 =	simm.s32 $0x1;
	p0 =	por !p0, !p0  }
0x123: {  	p6 =	slt.s32 s16, $0x4C200;
	s0 =	sshrl.u32 s0, $0x7;
	s22 =	simm.s32 @!p0 $0x0  }
0x124: {  	p0 =	por !p6, !p4;
	p4 =	por !p3, !p1;
	s0 =	ssub.s32 s0, s22  }
0x125: {  	s22 =	simm.s32 @!p4 $0x0;
	s24 =	simm.s32 @!p4 $0x400;
	s25 =	simm.s32 @!p4 $0x80  }
0x126: {  	v14 =	vand.u32 @p1 $0x7F, v9;
	v13 =	vld.idx.msk @p2 [tilespmem:v13+s4+$0x0], vm1;
	vm1 =	vmmov @p1 vm2;
	[tilespmem:s22], [sflag:$0x2] =	stream.strided.gather @!p4 [hbm4b:s3+s25], $0x2000, s24, s25, $0x200038;
	[tilespmem:$0xC3E0] =	vst v63  }
0x127: {  	v10 =	vor.u32 @p1 v14, v10;
	vm1 =	vmmov @p1 vm1;
	p3 =	por @!p1 p0, p0;
	p4 =	por !p0, !p0;
	s0 =	sshll.u32 s0, $0x7  }
0x128: {  	v10 =	vpsel p1, v10, v0;
	s3 =	smov.u32 @p1 s10;
	p0 =	por !p3, !p1;
	s16 =	smov.u32 @p4 s0  }
0x129: {  	v62 =	vadd.s32 s23, v1;
	_ =	swait.ge @!p0 [sflag:s3], $0x2000;
	v15 =	vmov s16  }
0x12a: {  	vm14 =	vlt.s32 v62, v7;
	s10 =	simm.s32 @p4 $0x2;
	s0 =	sand.u32 @p4 $0x1FFFFF80, s0;
	[sflag:s3] =	ssyncset.done @!p0 $0x0;
	v15 =	vsub.s32 v62, v15  }
0x12b: {  	v63 =	vand.u32 $0x7F, v62;
	vm2 =	vmmov vm14;
	s0 =	sadd.s32 @p4 s2, s0;
	[sflag:s3] =	ssyncadd.s32 @!p0 $0xFFFFE000;
	p0 =	por p4, p4;
	v7 =	vand.u32 $0xFFFFFF80, v15  }
0x12c: {  	s3 =	simm.s32 @p0 $0x0;
	s22 =	simm.s32 @p0 $0x400;
	s23 =	simm.s32 @p0 $0x80;
	v7 =	vor.u32 v63, v7  }
0x12d: {  	v10 =	vld.idx.msk @p1 [tilespmem:v10+s4+$0x0], vm1;
	[tilespmem:s3], [sflag:$0x2] =	stream.strided.gather @p0 [hbm4b:s0+s23], $0x2000, s22, s23, $0x200038;
	[tilespmem:$0xC3E0] =	vst v63  }
0x12e: {  	_ =	swait.ge @p0 [sflag:s10], $0x2000  }
0x12f: {  	[sflag:s10] =	ssyncset.done @p0 $0x0  }
0x130: {  	v13 =	vnsel @p2 vm0, $0xFF800000, v13;
	[sflag:s10] =	ssyncadd.s32 @p0 $0xFFFFE000  }
0x131: {  	vm0 =	vgt.f32 @p2 v13, v11;
	v7 =	vld.idx.msk [tilespmem:v7+s4+$0x0], vm2  }
0x132: {  	v11 =	vsel @p2 vm0, v13, v11  }
0x133: {  	v11 =	vpsel p2, v11, v6;
	v10 =	vnsel @p1 vm1, $0xFF800000, v10  }
0x134: {  	v8 =	vsel @p2 vm0, v8, v12;
	vm0 =	vgt.f32 @p1 v10, v11  }
.Ltmp17:
0x135: {  	v9 =	vpsel p1, v9, v0;
	v8 =	vpsel p2, v8, v5;
	v10 =	vsel @p1 vm0, v10, v11;
	(pc) =	sbr.rel .LBB2_25-.Ltmp17, $4  }
0x136: {  	v8 =	vsel @p1 vm0, v9, v8;
	v6 =	vpsel p1, v10, v6;
	v7 =	vnsel vm2, $0xFF800000, v7  }
0x137: {  	v5 =	vpsel p1, v8, v5;
	vm15 =	vgt.f32 v7, v6  }
0x138: {  	v5 =	vsel vm15, v62, v5  }
0x139: {  	v6 =	vsel vm15, v7, v6;
	v5 =	vxor.u32 $0x80000000, v5  }
.LBB2_17:
.Ltmp18:
0x13a: {  	(pc) =	sbr.rel .LBB2_24-.Ltmp18, $2  }
0x13b: {  	_ =	sdelay $0x2  }
0x13c: {  	s23 =	smov.u32 s20;
	v11 =	vimm.f32 $-Inf;
	v12 =	vimm.s32 $0x4E200  }
.LBB2_19:
.Ltmp19:
0x13d: {  	(pc) =	sbr.rel .LBB2_24-.Ltmp19, $2  }
0x13e: {  	_ =	sdelay $0x2  }
0x13f: {  	v9 =	vmov v8;
	v11 =	vimm.f32 $-Inf;
	v12 =	vimm.s32 $0x4E200  }
.LBB2_21:
.Ltmp20:
0x140: {  	(pc) =	sbr.rel .LBB2_24-.Ltmp20, $2  }
0x141: {  	_ =	sdelay $0x2  }
0x142: {  	s25 =	smov.u32 s22;
	s23 =	smov.u32 s24;
	vm2 =	vmmov vm3;
	s22 =	simm.s32 @p3 $0x2;
	v11 =	vimm.f32 $-Inf;
	v12 =	vimm.s32 $0x4E200  }
.LBB2_9:
.Ltmp21:
0x143: {  	(pc) =	sbr.rel .LBB2_14-.Ltmp21, $2  }
0x144: {  	_ =	sdelay $0x2  }
0x145: {  	v11 =	vimm.f32 $-Inf;
	v12 =	vimm.s32 $0x4E200  }
.LBB2_11:
.Ltmp22:
0x146: {  	(pc) =	sbr.rel .LBB2_14-.Ltmp22, $2  }
0x147: {  	_ =	sdelay $0x2  }
0x148: {  	v3 =	vmovc v5;
	vm2 =	vmmov vm1;
	v11 =	vimm.f32 $-Inf;
	v12 =	vimm.s32 $0x4E200;
	v5 =	vmovc v9  }
.LBB2_27:
0x149: {  	_ =	strace $0x90000048  }
0x14a: {  	_ =	strace $0x80000049  }
0x14b: {  	_ =	swait.ge [sflag:s12], $0x80  }
0x14c: {  	s16 =	simm.s32 $0x13F;
	[sflag:s12] =	ssyncset.done $0x0  }
.LBB2_28:
0x14d: {  	p0 =	sne.s32 s16, $0x1;
	s16 =	sadd.s32 $0xFFFFFFFF, s16;
	[sflag:s12] =	ssyncadd.s32 $0xFFFFFF80  }
.Ltmp23:
0x14e: {  	(pc) =	sbr.rel @p0 .LBB2_28-.Ltmp23, $3  }
0x14f: {  	_ =	sdelay $0x1  }
0x150: {  	_ =	swait.ge [sflag:s12], $0x80  }
0x151: {  	[sflag:s12] =	ssyncset.done $0x0  }
.Ltmp24:
0x152: {  	(pc) =	sbr.rel .LBB2_30-.Ltmp24, $4  }
0x153: {  	_ = 	snop  }
0x154: {  	[sflag:s12] =	ssyncadd.s32 $0xFFFFFF80  }
0x155: {  	s16 =	simm.s32 $0x0;
	s17 =	simm.s32 $0x2290;
	_ =	strace $0x90000049  }
0x156: {  	s18 =	simm.s32 $0x2420;
	s19 =	simm.s32 $0x0;
	_ =	strace $0x8000004A  }
.LBB2_34:
0x157: {  	s19 =	sadd.s32 $0x1, s19  }
0x158: {  	p0 =	sne.s32 s19, $0x14  }
.Ltmp25:
0x159: {  	_ = 	snop;
	(pc) =	sbr.rel @!p0 .LBB2_35-.Ltmp25, $2  }
0x15a: {  	_ =	sdelay $0x2  }
0x15b: {  	s17 =	sadd.s32 $0x10, s17;
	s18 =	sadd.s32 $0x800, s18  }
.LBB2_30:
0x15c: {  	s0 =	sshll.u32 s19, $0x4  }
0x15d: {  	v2 =	vld [tilespmem:s0+$0x2290];
	_ =	sdelay $0x4  }
0x15e: {  	v2 =	vxor.u32 $0x80000000, v2  }
0x15f: {  	(xrf0) =	vmin.scan.msk.u32 $0xffff, v2;
	_ =	sdelay $0x5  }
0x160: {  	v2, _, _ =	vpop (xrf0)  }
0x161: {  	(v2sf) =	vpush v2, $0xF;
	_ =	sdelay $0xe  }
0x162: {  	s31 =	spop (v2sf)  }
0x163: {  	p0 =	sne.s32 s31, $0x80000000  }
.Ltmp26:
0x164: {  	_ = 	snop;
	(pc) =	sbr.rel @p0 .LBB2_34-.Ltmp26, $1  }
0x165: {  	_ =	sdelay $0x3  }
0x166: {  	s0 =	sshra.s32 s16, $0x2  }
0x167: {  	s0 =	sadd.s32 s0, s17  }
0x168: {  	v2 =	vld [tilespmem:s0+$0x0];
	_ =	sdelay $0x4  }
0x169: {  	(v2sf) =	vpush v2, $0x0;
	_ =	sdelay $0xe  }
0x16a: {  	s31 =	spop (v2sf)  }
0x16b: {  	p2 =	sne.s32 s31, $0x0  }
0x16c: {  	v2 =	vimm.f32 @!p2 $0.0e+00  }
0x16d: {  	[tilespmem:s18+$0xFFFFFFC0] =	vst @!p2 v2  }
0x16e: {  	[tilespmem:s18+$0xFFFFFFD0] =	vst @!p2 v2  }
0x16f: {  	[tilespmem:s18+$0xFFFFFFE0] =	vst @!p2 v2  }
0x170: {  	[tilespmem:s18+$0xFFFFFFF0] =	vst @!p2 v2  }
0x171: {  	[tilespmem:s18+$0x0] =	vst @!p2 v2  }
0x172: {  	s21 =	sadd.s32 $0x4, s16;
	s20 =	smov.u32 s18;
	[tilespmem:s18+$0x10] =	vst @!p2 v2  }
.LBB2_32:
0x173: {  	s0 =	sshra.s32 s21, $0x2;
	s21 =	sadd.s32 $0x4, s21;
	[tilespmem:s20+$0x20] =	vst @!p2 v2  }
0x174: {  	s0 =	sadd.s32 s0, s17;
	p1 =	sne.s32 s21, $0x40;
	[tilespmem:s20+$0x30] =	vst @!p2 v2  }
0x175: {  	v2 =	vld [tilespmem:s0+$0x0];
	_ =	sdelay $0x4  }
0x176: {  	(v2sf) =	vpush v2, $0x0;
	_ =	sdelay $0xe  }
0x177: {  	s0 =	spop (v2sf)  }
0x178: {  	p2 =	sne.s32 s0, $0x0  }
0x179: {  	s20 =	sadd.s32 $0x80, s20;
	v2 =	vimm.f32 @!p2 $0.0e+00  }
0x17a: {  	[tilespmem:s20+$0xFFFFFFC0] =	vst @!p2 v2  }
.Ltmp27:
0x17b: {  	[tilespmem:s20+$0xFFFFFFD0] =	vst @!p2 v2;
	(pc) =	sbr.rel @p1 .LBB2_32-.Ltmp27, $4  }
0x17c: {  	[tilespmem:s20+$0xFFFFFFE0] =	vst @!p2 v2  }
0x17d: {  	[tilespmem:s20+$0xFFFFFFF0] =	vst @!p2 v2  }
0x17e: {  	[tilespmem:s20+$0x0] =	vst @!p2 v2  }
0x17f: {  	[tilespmem:s20+$0x10] =	vst @!p2 v2  }
.Ltmp28:
0x180: {  	(pc) =	sbr.rel .LBB2_34-.Ltmp28, $3  }
0x181: {  	_ =	sdelay $0x1  }
0x182: {  	[tilespmem:s20+$0x20] =	vst @!p2 v2  }
0x183: {  	[tilespmem:s20+$0x30] =	vst @!p2 v2  }
.LBB2_36:
0x184: {  	_ =	sfence.sel $0x180000  }
0x185: {  	[bflag:$0x0] =	sbarrier.arrive $0xFFFF  }
0x186: {  	_ =	strace $0x90000047  }
0x187: {  	s0 =	stileid.u32;
	[bflag:$0x2] =	sbarrier.arrive $0xFFFF  }
0x188: {  	p0 =	sne.s32 s0, $0x0;
	s0 =	rddreg [dreg:$0x4]  }
0x189: {  	s0 =	sadd.s32 @!p0 $0x100000, s0  }
0x18a: {  	[sflag:s0] =	ssyncadd.tile.s32 @!p0 $0x1;
	_ =	shalt  }
.Lfunc_end2:
_tile_overlayer_lowered:
.L_overlay_start_2:
0x18b: {  	(tag) =	ssettag $0x2  }
0x18c: {  	s0 =	rddreg [dreg:$0x0];
	s2 =	stileid.u32  }
0x18d: {  	s1 =	rddreg [dreg:$0x1];
	p0 =	sne.s32 s2, $0x0  }
0x18e: {  	s3 =	rddreg [dreg:$0x2];
	[bflag:$0x3] =	sbarrier.arrive $0xFFFF;
	s2 =	simm.s32 @!p0 $0x1C02  }
0x18f: {  	[timem:s3], [sflag:s2] =	dma.local @!p0 [hbm:s0], s1  }
0x190: {  	s0 =	simm.s32 @!p0 $0x2  }
0x191: {  	_ =	swait.ge @!p0 [sflag:s0], s1  }
0x192: {  	s1 =	ssub.s32 @!p0 $0x0, s1;
	[sflag:s0] =	ssyncset.done @!p0 $0x0  }
0x193: {  	[sflag:s0] =	ssyncadd.s32 @!p0 s1  }
0x194: {  	[bflag:$0x3] =	sbarrier.arrive $0xFFFF  }
0x195: {  	_ =	shalt  }

</sc_bundles>
